<compile_context>
chip_gen: v7x
topology: tpu7x:2x2x1
jax: 0.10.2.dev20260603
libtpu: 0.0.44.dev20260713+nightly
codegen_flags: <defaults>
</compile_context>

<pallas_src>
import functools

import jax
import jax.numpy as jnp
from jax import lax
from jax.experimental import pallas as pl
from jax.experimental.pallas import tpu as pltpu
from jax.experimental.pallas import tpu_sc as plsc

_K = 8192
_D = 256
_N = 4096
_KB = 512
_BETA = 0.25


_CH = 8
_NCH = _KB // _CH
_SPAN = 1024
_NSPAN = _N // _SPAN


def _dist_argmin_body(flat_ref, emb_ref, inds_ref, losssum_ref,
                      a_ref, t_ref, m_ref, rv8_ref, ri8_ref):
    kb = pl.program_id(0)
    nkb = pl.num_programs(0)
    flat = flat_ref[...]
    emb = emb_ref[...]

    @pl.when(kb == 0)
    def _init():
        a_ref[...] = jnp.sum(flat * flat, axis=1).reshape(1, _N)
        rv8_ref[...] = jnp.full((_CH, _N), jnp.inf, jnp.float32)
        ri8_ref[...] = jnp.zeros((_CH, _N), jnp.int32)

    esq = jnp.sum(emb * emb, axis=1)
    t_ref[...] = esq[:, None] + a_ref[...]
    m_nt = lax.dot_general(flat, emb, (((1,), (1,)), ((), ())))
    m_ref[...] = jnp.swapaxes(m_nt, 0, 1)

    jbase = kb * _KB
    for sp in range(_NSPAN):
        lanes = pl.ds(sp * _SPAN, _SPAN)
        s8 = lax.broadcasted_iota(jnp.int32, (_CH, _SPAN), 0)

        def _chunk(c, carry):
            rv, ri = carry
            rows = pl.ds(pl.multiple_of(c * _CH, _CH), _CH)
            d = t_ref[rows, lanes] - 2.0 * m_ref[rows, lanes]
            better = d < rv
            jc = s8 + (jbase + c * _CH)
            return (jnp.where(better, d, rv), jnp.where(better, jc, ri))

        rv, ri = lax.fori_loop(
            0, _NCH, _chunk,
            (rv8_ref[:, lanes], ri8_ref[:, lanes]), unroll=8)
        rv8_ref[:, lanes] = rv
        ri8_ref[:, lanes] = ri

    @pl.when(kb == nkb - 1)
    def _fin():
        v = rv8_ref[...]
        i = ri8_ref[...]
        for step in (4, 2, 1):
            v1, v2 = v[0:step, :], v[step:2 * step, :]
            i1, i2 = i[0:step, :], i[step:2 * step, :]
            take = (v2 < v1) | ((v2 == v1) & (i2 < i1))
            v = jnp.where(take, v2, v1)
            i = jnp.where(take, i2, i1)
        inds_ref[...] = i
        losssum_ref[...] = jnp.sum(v).reshape(1, 1)


def _dist_argmin(flat, emb, interpret=False):
    inds2, losssum = pl.pallas_call(
        _dist_argmin_body,
        grid=(_K // _KB,),
        in_specs=[
            pl.BlockSpec((_N, _D), lambda k: (0, 0)),
            pl.BlockSpec((_KB, _D), lambda k: (k, 0)),
        ],
        out_specs=[
            pl.BlockSpec((1, _N), lambda k: (0, 0)),
            pl.BlockSpec((1, 1), lambda k: (0, 0)),
        ],
        out_shape=[
            jax.ShapeDtypeStruct((1, _N), jnp.int32),
            jax.ShapeDtypeStruct((1, 1), jnp.float32),
        ],
        scratch_shapes=[
            pltpu.VMEM((1, _N), jnp.float32),
            pltpu.VMEM((_KB, _N), jnp.float32),
            pltpu.VMEM((_KB, _N), jnp.float32),
            pltpu.VMEM((_CH, _N), jnp.float32),
            pltpu.VMEM((_CH, _N), jnp.int32),
        ],
        compiler_params=pltpu.CompilerParams(
            dimension_semantics=("arbitrary",),
        ),
        interpret=interpret,
    )(flat, emb)
    return inds2.reshape(_N), losssum


@functools.cache
def _sc_gather_kernel():
    info = plsc.get_sparse_core_info()
    nw = info.num_cores * info.num_subcores
    bpw = _N // nw
    nc = info.num_cores
    mesh = plsc.VectorSubcoreMesh(core_axis_name="c", subcore_axis_name="s")

    @functools.partial(
        pl.kernel,
        out_type=jax.ShapeDtypeStruct((_N, _D), jnp.float32),
        mesh=mesh,
        scratch_types=[
            pltpu.VMEM((bpw,), jnp.int32),
            pltpu.VMEM((bpw, _D), jnp.float32),
            pltpu.SemaphoreType.DMA,
        ],
    )
    def gather_rows(table_hbm, idx_hbm, out_hbm, idx_v, rows_v, sem):
        wid = lax.axis_index("s") * nc + lax.axis_index("c")
        base = wid * bpw
        pltpu.sync_copy(idx_hbm.at[pl.ds(base, bpw)], idx_v)
        pltpu.async_copy(table_hbm.at[idx_v], rows_v, sem).wait()
        pltpu.sync_copy(rows_v, out_hbm.at[pl.ds(base, bpw)])

    return gather_rows


def kernel(latents, validation, embedding_weight):
    lat_shape = (latents.shape[0], latents.shape[2], latents.shape[3], _D)
    flat = jnp.transpose(latents, (0, 2, 3, 1)).reshape(-1, _D)
    inds, losssum = _dist_argmin(flat, embedding_weight)
    quantized = _sc_gather_kernel()(embedding_weight, inds)
    out = jnp.transpose(quantized.reshape(lat_shape), (0, 3, 1, 2))
    vq_loss = losssum[0, 0] * ((1.0 + _BETA) / (_N * _D))
    return out, vq_loss

# --- scband reference (transcript-rebuilt; emitter-appended) ---
"""Pipeline reference for scband-vector-quantizer-16569983828148 (READ-ONLY COPY).

The authoritative reference and input builder live on the scoring server;
editing this copy changes nothing except your own understanding.
"""

import jax, jax.numpy as jnp
import numpy as np

K = 8192
D = 256
BETA = 0.25


def setup_inputs(seed: int = 0) -> dict:
    key = jax.random.key(seed)
    k1, k2 = jax.random.split(key)
    latents = jax.random.normal(k1, (4, 256, 32, 32), dtype=jnp.float32)
    # nn.Embedding weight initialized uniform(-1/K, 1/K)
    embedding_weight = jax.random.uniform(k2, (K, D), dtype=jnp.float32, minval=-1.0 / K, maxval=1.0 / K)
    validation = 1
    return {"latents": latents, "validation": validation, "embedding_weight": embedding_weight}


def reference(latents, validation, embedding_weight):
    # [B, D, H, W] -> [B, H, W, D]
    lat = jnp.transpose(latents, (0, 2, 3, 1))
    latents_shape = lat.shape
    flat = lat.reshape(-1, D)
    # squared L2 distance to every codebook entry
    dist = (
        jnp.sum(flat ** 2, axis=1, keepdims=True)
        + jnp.sum(embedding_weight ** 2, axis=1)
        - 2.0 * (flat @ embedding_weight.T)
    )
    encoding_inds = jnp.argmin(dist, axis=1)
    encoding_one_hot = jax.nn.one_hot(encoding_inds, K, dtype=flat.dtype)
    quantized = encoding_one_hot @ embedding_weight
    quantized = quantized.reshape(latents_shape)
    commitment_loss = jnp.mean((jax.lax.stop_gradient(quantized) - lat) ** 2)
    embedding_loss = jnp.mean((quantized - jax.lax.stop_gradient(lat)) ** 2)
    # With validation truthy and the module's initial state, eloss == 0.0, so the
    # topological (Vietoris-Rips) terms eloss*vr1loss and eloss*vr0metricloss are
    # exactly zero and the VR computation is side-effect-only.
    vq_loss = commitment_loss * BETA + embedding_loss
    # straight-through estimator
    quantized_st = lat + jax.lax.stop_gradient(quantized - lat)
    out = jnp.transpose(quantized_st, (0, 3, 1, 2))
    return out, vq_loss

if __name__ == "__main__":
    import jax
    _d = setup_inputs()
    print(jax.jit(kernel)(*tuple(_d.values())))

</pallas_src>

<mosaic_0001>
#map = affine_map<(d0, d1) -> (0, 0)>
#map1 = affine_map<(d0, d1) -> (0)>
module attributes {stable_mosaic.version = 14 : i64} {
  func.func @gather_rows(%arg0: i32, %arg1: i32, %arg2: memref<8192x256xf32, #tpu.memory_space<hbm>>, %arg3: memref<4096xi32, #tpu.memory_space<hbm>>, %arg4: memref<4096x256xf32, #tpu.memory_space<hbm>>, %arg5: memref<128xi32, #tpu.memory_space<vmem>>, %arg6: memref<128x256xf32, #tpu.memory_space<vmem>>, %arg7: memref<!tpu.dma_semaphore, #tpu.memory_space<semaphore_mem>>) attributes {dimension_semantics = [#tpu.dimension_semantics<core_parallel>, #tpu.dimension_semantics<subcore_parallel>], iteration_bounds = array<i64: 2, 16>, scalar_prefetch = 0 : i64, scratch_operands = 3 : i64, tpu.core_type = #tpu.core_type<sc_vector_subcore>, window_params = [{transform_indices = #map}, {transform_indices = #map1}, {transform_indices = #map}]} {
    %mul3A = arith.constant 2 : i32
    %mul3A_0 = arith.muli %arg1, %mul3A : i32
    %add3A = arith.addi %mul3A_0, %arg0 : i32
    %mul3A_1 = arith.constant 128 : i32
    %mul3A_2 = arith.muli %add3A, %mul3A_1 : i32
    "tpu.region"() ({
      %run_scoped3A = tpu.sem_alloc : memref<!tpu.dma_semaphore, #tpu.memory_space<semaphore_mem>>
      %dma_start3A_7 = tpu.memref_slice %arg3[%mul3A_2] : memref<4096xi32, #tpu.memory_space<hbm>> -> memref<128xi32, #tpu.memory_space<hbm>>
      %dma_start3A_8 = tpu.memref_slice %arg3[%mul3A_2] : memref<4096xi32, #tpu.memory_space<hbm>> -> memref<128xi32, #tpu.memory_space<hbm>>
      tpu.enqueue_dma source(%dma_start3A_8 : memref<128xi32, #tpu.memory_space<hbm>>) target(%arg5 : memref<128xi32, #tpu.memory_space<vmem>>) target_semaphore(%run_scoped3A : memref<!tpu.dma_semaphore, #tpu.memory_space<semaphore_mem>>)
      %dma_wait3A_9 = tpu.memref_slice %arg3[%mul3A_2] : memref<4096xi32, #tpu.memory_space<hbm>> -> memref<128xi32, #tpu.memory_space<hbm>>
      %dma_wait3A_10 = tpu.memref_slice %arg3[%mul3A_2] : memref<4096xi32, #tpu.memory_space<hbm>> -> memref<128xi32, #tpu.memory_space<hbm>>
      tpu.wait_dma2 semaphore(%run_scoped3A : memref<!tpu.dma_semaphore, #tpu.memory_space<semaphore_mem>>) src(%dma_wait3A_10 : memref<128xi32, #tpu.memory_space<hbm>>) dst(%arg5 : memref<128xi32, #tpu.memory_space<vmem>>)
      tpu.yield
    }) : () -> ()
    %dma_start3A = arith.constant 0 : i32
    %dma_start3A_3 = arith.constant 0 : i32
    %dma_start3A_4 = tpu.memref_slice %arg2[%dma_start3A, %dma_start3A_3] : memref<8192x256xf32, #tpu.memory_space<hbm>> -> memref<8192x256xf32, #tpu.memory_space<hbm>>
    tpu.enqueue_indirect_dma source(%dma_start3A_4 : memref<8192x256xf32, #tpu.memory_space<hbm>>) target(%arg6 : memref<128x256xf32, #tpu.memory_space<vmem>>) offsets(%arg5 : memref<128xi32, #tpu.memory_space<vmem>>) semaphore(%arg7 : memref<!tpu.dma_semaphore, #tpu.memory_space<semaphore_mem>>)
    %dma_wait3A = arith.constant 0 : i32
    %dma_wait3A_5 = arith.constant 0 : i32
    %dma_wait3A_6 = tpu.memref_slice %arg2[%dma_wait3A, %dma_wait3A_5] : memref<8192x256xf32, #tpu.memory_space<hbm>> -> memref<8192x256xf32, #tpu.memory_space<hbm>>
    tpu.wait_indirect_dma semaphore(%arg7 : memref<!tpu.dma_semaphore, #tpu.memory_space<semaphore_mem>>) src(%dma_wait3A_6 : memref<8192x256xf32, #tpu.memory_space<hbm>>) dst(%arg6 : memref<128x256xf32, #tpu.memory_space<vmem>>)
    "tpu.region"() ({
      %run_scoped3A = tpu.sem_alloc : memref<!tpu.dma_semaphore, #tpu.memory_space<semaphore_mem>>
      %dma_start3A_7 = arith.constant 0 : i32
      %dma_start3A_8 = tpu.memref_slice %arg4[%mul3A_2, %dma_start3A_7] : memref<4096x256xf32, #tpu.memory_space<hbm>> -> memref<128x256xf32, #tpu.memory_space<hbm>>
      %dma_start3A_9 = arith.constant 0 : i32
      %dma_start3A_10 = tpu.memref_slice %arg4[%mul3A_2, %dma_start3A_9] : memref<4096x256xf32, #tpu.memory_space<hbm>> -> memref<128x256xf32, #tpu.memory_space<hbm>>
      tpu.enqueue_dma source(%arg6 : memref<128x256xf32, #tpu.memory_space<vmem>>) target(%dma_start3A_10 : memref<128x256xf32, #tpu.memory_space<hbm>>) target_semaphore(%run_scoped3A : memref<!tpu.dma_semaphore, #tpu.memory_space<semaphore_mem>>)
      %dma_wait3A_11 = arith.constant 0 : i32
      %dma_wait3A_12 = tpu.memref_slice %arg4[%mul3A_2, %dma_wait3A_11] : memref<4096x256xf32, #tpu.memory_space<hbm>> -> memref<128x256xf32, #tpu.memory_space<hbm>>
      %dma_wait3A_13 = arith.constant 0 : i32
      %dma_wait3A_14 = tpu.memref_slice %arg4[%mul3A_2, %dma_wait3A_13] : memref<4096x256xf32, #tpu.memory_space<hbm>> -> memref<128x256xf32, #tpu.memory_space<hbm>>
      tpu.wait_dma2 semaphore(%run_scoped3A : memref<!tpu.dma_semaphore, #tpu.memory_space<semaphore_mem>>) src(%arg6 : memref<128x256xf32, #tpu.memory_space<vmem>>) dst(%dma_wait3A_14 : memref<128x256xf32, #tpu.memory_space<hbm>>)
      tpu.yield
    }) : () -> ()
    return
  }
}

module attributes {stable_mosaic.version = 14 : i64} {
  func.func @_dist_argmin_body(%arg0: i32, %arg1: memref<4096x256xf32, #tpu.memory_space<vmem>>, %arg2: memref<512x256xf32, #tpu.memory_space<vmem>>, %arg3: memref<1x4096xi32, #tpu.memory_space<vmem>>, %arg4: memref<1x1xf32, #tpu.memory_space<vmem>>, %arg5: memref<1x4096xf32, #tpu.memory_space<vmem>>, %arg6: memref<512x4096xf32, #tpu.memory_space<vmem>>, %arg7: memref<512x4096xf32, #tpu.memory_space<vmem>>, %arg8: memref<8x4096xf32, #tpu.memory_space<vmem>>, %arg9: memref<8x4096xi32, #tpu.memory_space<vmem>>) attributes {dimension_semantics = [#tpu.dimension_semantics<arbitrary>], iteration_bounds = array<i64: 16>, scalar_prefetch = 0 : i64, scratch_operands = 5 : i64, tpu.core_type = #tpu.core_type<tc>, window_params = [{pipeline_mode = #tpu.pipeline_mode<synchronous>, transform_indices = @transform_0, window_bounds = array<i64: 4096, 256>}, {transform_indices = @transform_1, window_bounds = array<i64: 512, 256>}, {pipeline_mode = #tpu.pipeline_mode<synchronous>, transform_indices = @transform_2, window_bounds = array<i64: 1, 4096>}, {pipeline_mode = #tpu.pipeline_mode<synchronous>, transform_indices = @transform_3, window_bounds = array<i64: 1, 1>}]} {
    %get3A = arith.constant 0 : index
    %get3A_0 = arith.constant 0 : index
    %get3A_1 = vector.load %arg1[%get3A, %get3A_0] : memref<4096x256xf32, #tpu.memory_space<vmem>>, vector<4096x256xf32>
    %get3A_2 = arith.constant 0 : index
    %get3A_3 = arith.constant 0 : index
    %get3A_4 = vector.load %arg2[%get3A_2, %get3A_3] : memref<512x256xf32, #tpu.memory_space<vmem>>, vector<512x256xf32>
    %eq3A = arith.constant 0 : i32
    %eq3A_5 = arith.cmpi eq, %arg0, %eq3A : i32
    %convert_element_type3A = arith.extui %eq3A_5 : i1 to i32
    %cond3A = arith.constant 0 : i32
    %cond3A_6 = arith.cmpi ne, %convert_element_type3A, %cond3A : i32
    scf.if %cond3A_6 {
      %mul3A_100 = arith.mulf %get3A_1, %get3A_1 : vector<4096x256xf32>
      %reduce_sum3A_101 = arith.constant dense<0.000000e+00> : vector<4096xf32>
      %reduce_sum3A_102 = vector.multi_reduction <add>, %mul3A_100, %reduce_sum3A_101 [1] : vector<4096x256xf32> to vector<4096xf32>
      %reshape3A = vector.shape_cast %reduce_sum3A_102 : vector<4096xf32> to vector<1x4096xf32>
      %swap3A_103 = arith.constant 0 : index
      %swap3A_104 = arith.constant 0 : index
      %swap3A_105 = vector.load %arg5[%swap3A_103, %swap3A_104] : memref<1x4096xf32, #tpu.memory_space<vmem>>, vector<1x4096xf32>
      tpu.vector_store %arg5[%swap3A_103, %swap3A_104], %reshape3A {strides = array<i32>} : memref<1x4096xf32, #tpu.memory_space<vmem>>, vector<1x4096xf32>,
      %broadcast_in_dim3A_106 = arith.constant 0x7F800000 : f32
      %broadcast_in_dim3A_107 = vector.broadcast %broadcast_in_dim3A_106 : f32 to vector<8x4096xf32>
      %swap3A_108 = arith.constant 0 : index
      %swap3A_109 = arith.constant 0 : index
      %swap3A_110 = vector.load %arg8[%swap3A_108, %swap3A_109] : memref<8x4096xf32, #tpu.memory_space<vmem>>, vector<8x4096xf32>
      tpu.vector_store %arg8[%swap3A_108, %swap3A_109], %broadcast_in_dim3A_107 {strides = array<i32>} : memref<8x4096xf32, #tpu.memory_space<vmem>>, vector<8x4096xf32>,
      %broadcast_in_dim3A_111 = arith.constant 0 : i32
      %broadcast_in_dim3A_112 = vector.broadcast %broadcast_in_dim3A_111 : i32 to vector<8x4096xi32>
      %swap3A_113 = arith.constant 0 : index
      %swap3A_114 = arith.constant 0 : index
      %swap3A_115 = vector.load %arg9[%swap3A_113, %swap3A_114] : memref<8x4096xi32, #tpu.memory_space<vmem>>, vector<8x4096xi32>
      tpu.vector_store %arg9[%swap3A_113, %swap3A_114], %broadcast_in_dim3A_112 {strides = array<i32>} : memref<8x4096xi32, #tpu.memory_space<vmem>>, vector<8x4096xi32>,
    } else {
    }
    %mul3A = arith.mulf %get3A_4, %get3A_4 : vector<512x256xf32>
    %reduce_sum3A = arith.constant dense<0.000000e+00> : vector<512xf32>
    %reduce_sum3A_7 = vector.multi_reduction <add>, %mul3A, %reduce_sum3A [1] : vector<512x256xf32> to vector<512xf32>
    %broadcast_in_dim3A = vector.shape_cast %reduce_sum3A_7 : vector<512xf32> to vector<512x1xf32>
    %get3A_8 = arith.constant 0 : index
    %get3A_9 = arith.constant 0 : index
    %get3A_10 = vector.load %arg5[%get3A_8, %get3A_9] : memref<1x4096xf32, #tpu.memory_space<vmem>>, vector<1x4096xf32>
    %add3A = vector.broadcast %broadcast_in_dim3A : vector<512x1xf32> to vector<512x4096xf32>
    %add3A_11 = vector.broadcast %get3A_10 : vector<1x4096xf32> to vector<512x4096xf32>
    %add3A_12 = arith.addf %add3A, %add3A_11 : vector<512x4096xf32>
    %swap3A = arith.constant 0 : index
    %swap3A_13 = arith.constant 0 : index
    %swap3A_14 = vector.load %arg6[%swap3A, %swap3A_13] : memref<512x4096xf32, #tpu.memory_space<vmem>>, vector<512x4096xf32>
    tpu.vector_store %arg6[%swap3A, %swap3A_13], %add3A_12 {strides = array<i32>} : memref<512x4096xf32, #tpu.memory_space<vmem>>, vector<512x4096xf32>,
    %dot_general3A = arith.constant dense<0.000000e+00> : vector<4096x512xf32>
    %dot_general3A_15 = tpu.matmul %get3A_1, %get3A_4, %dot_general3A {dimension_numbers = #tpu.dot_dimension_numbers<[1], [1], [0], [0], [0, 0, 1, 0], [], []>, transpose_lhs_hint = false} : vector<4096x256xf32>, vector<512x256xf32>, vector<4096x512xf32> -> vector<4096x512xf32>
    %transpose3A = tpu.transpose %dot_general3A_15, [1, 0] : vector<4096x512xf32> -> vector<512x4096xf32>
    %swap3A_16 = arith.constant 0 : index
    %swap3A_17 = arith.constant 0 : index
    %swap3A_18 = vector.load %arg7[%swap3A_16, %swap3A_17] : memref<512x4096xf32, #tpu.memory_space<vmem>>, vector<512x4096xf32>
    tpu.vector_store %arg7[%swap3A_16, %swap3A_17], %transpose3A {strides = array<i32>} : memref<512x4096xf32, #tpu.memory_space<vmem>>, vector<512x4096xf32>,
    %mul3A_19 = arith.constant 512 : i32
    %mul3A_20 = arith.muli %arg0, %mul3A_19 : i32
    %iota3A = tpu.iota {dimensions = array<i32: 0>} : vector<8x1024xi32>
    %get3A_21 = arith.constant 0 : index
    %get3A_22 = arith.constant 0 : index
    %get3A_23 = vector.load %arg8[%get3A_21, %get3A_22] : memref<8x4096xf32, #tpu.memory_space<vmem>>, vector<8x1024xf32>
    %get3A_24 = arith.constant 0 : index
    %get3A_25 = arith.constant 0 : index
    %get3A_26 = vector.load %arg9[%get3A_24, %get3A_25] : memref<8x4096xi32, #tpu.memory_space<vmem>>, vector<8x1024xi32>
    %scan3A = arith.constant 0 : i32
    %scan3A_27 = arith.constant 64 : i32
    %scan3A_28 = arith.addi %scan3A, %scan3A_27 : i32
    %scan3A_29 = arith.constant 8 : i32
    %scan3A_30:2 = scf.for %scan3A_100 = %scan3A to %scan3A_28 step %scan3A_29 iter_args(%scan3A_101 = %get3A_23, %scan3A_102 = %get3A_26) -> (vector<8x1024xf32>, vector<8x1024xi32>)  : i32 {
      %mul3A_103 = arith.constant 8 : i32
      %mul3A_104 = arith.muli %scan3A_100, %mul3A_103 : i32
      %multiple_of3A = tpu.assume_multiple %mul3A_104, 8 : i32
      %get3A_105 = arith.index_cast %multiple_of3A : i32 to index
      %get3A_106 = arith.constant 0 : index
      %get3A_107 = vector.load %arg6[%get3A_105, %get3A_106] : memref<512x4096xf32, #tpu.memory_space<vmem>>, vector<8x1024xf32>
      %get3A_108 = arith.index_cast %multiple_of3A : i32 to index
      %get3A_109 = arith.constant 0 : index
      %get3A_110 = vector.load %arg7[%get3A_108, %get3A_109] : memref<512x4096xf32, #tpu.memory_space<vmem>>, vector<8x1024xf32>
      %mul3A_111 = arith.constant 2.000000e+00 : f32
      %mul3A_112 = vector.broadcast %mul3A_111 : f32 to vector<8x1024xf32>
      %mul3A_113 = arith.mulf %mul3A_112, %get3A_110 : vector<8x1024xf32>
      %sub3A = arith.subf %get3A_107, %mul3A_113 : vector<8x1024xf32>
      %lt3A = arith.cmpf olt, %sub3A, %scan3A_101 : vector<8x1024xf32>
      %mul3A_114 = arith.constant 8 : i32
      %mul3A_115 = arith.muli %scan3A_100, %mul3A_114 : i32
      %add3A_116 = arith.addi %mul3A_20, %mul3A_115 : i32
      %add3A_117 = vector.broadcast %add3A_116 : i32 to vector<8x1024xi32>
      %add3A_118 = arith.addi %iota3A, %add3A_117 : vector<8x1024xi32>
      %select_n3A = arith.select %lt3A, %sub3A, %scan3A_101 : vector<8x1024xi1>, vector<8x1024xf32>
      %select_n3A_119 = arith.select %lt3A, %add3A_118, %scan3A_102 : vector<8x1024xi1>, vector<8x1024xi32>
      %scan3A_120 = arith.constant 1 : i32
      %scan3A_121 = arith.addi %scan3A_100, %scan3A_120 : i32
      %mul3A_122 = arith.constant 8 : i32
      %mul3A_123 = arith.muli %scan3A_121, %mul3A_122 : i32
      %multiple_of3A_124 = tpu.assume_multiple %mul3A_123, 8 : i32
      %get3A_125 = arith.index_cast %multiple_of3A_124 : i32 to index
      %get3A_126 = arith.constant 0 : index
      %get3A_127 = vector.load %arg6[%get3A_125, %get3A_126] : memref<512x4096xf32, #tpu.memory_space<vmem>>, vector<8x1024xf32>
      %get3A_128 = arith.index_cast %multiple_of3A_124 : i32 to index
      %get3A_129 = arith.constant 0 : index
      %get3A_130 = vector.load %arg7[%get3A_128, %get3A_129] : memref<512x4096xf32, #tpu.memory_space<vmem>>, vector<8x1024xf32>
      %mul3A_131 = arith.constant 2.000000e+00 : f32
      %mul3A_132 = vector.broadcast %mul3A_131 : f32 to vector<8x1024xf32>
      %mul3A_133 = arith.mulf %mul3A_132, %get3A_130 : vector<8x1024xf32>
      %sub3A_134 = arith.subf %get3A_127, %mul3A_133 : vector<8x1024xf32>
      %lt3A_135 = arith.cmpf olt, %sub3A_134, %select_n3A : vector<8x1024xf32>
      %mul3A_136 = arith.constant 8 : i32
      %mul3A_137 = arith.muli %scan3A_121, %mul3A_136 : i32
      %add3A_138 = arith.addi %mul3A_20, %mul3A_137 : i32
      %add3A_139 = vector.broadcast %add3A_138 : i32 to vector<8x1024xi32>
      %add3A_140 = arith.addi %iota3A, %add3A_139 : vector<8x1024xi32>
      %select_n3A_141 = arith.select %lt3A_135, %sub3A_134, %select_n3A : vector<8x1024xi1>, vector<8x1024xf32>
      %select_n3A_142 = arith.select %lt3A_135, %add3A_140, %select_n3A_119 : vector<8x1024xi1>, vector<8x1024xi32>
      %scan3A_143 = arith.constant 2 : i32
      %scan3A_144 = arith.addi %scan3A_100, %scan3A_143 : i32
      %mul3A_145 = arith.constant 8 : i32
      %mul3A_146 = arith.muli %scan3A_144, %mul3A_145 : i32
      %multiple_of3A_147 = tpu.assume_multiple %mul3A_146, 8 : i32
      %get3A_148 = arith.index_cast %multiple_of3A_147 : i32 to index
      %get3A_149 = arith.constant 0 : index
      %get3A_150 = vector.load %arg6[%get3A_148, %get3A_149] : memref<512x4096xf32, #tpu.memory_space<vmem>>, vector<8x1024xf32>
      %get3A_151 = arith.index_cast %multiple_of3A_147 : i32 to index
      %get3A_152 = arith.constant 0 : index
      %get3A_153 = vector.load %arg7[%get3A_151, %get3A_152] : memref<512x4096xf32, #tpu.memory_space<vmem>>, vector<8x1024xf32>
      %mul3A_154 = arith.constant 2.000000e+00 : f32
      %mul3A_155 = vector.broadcast %mul3A_154 : f32 to vector<8x1024xf32>
      %mul3A_156 = arith.mulf %mul3A_155, %get3A_153 : vector<8x1024xf32>
      %sub3A_157 = arith.subf %get3A_150, %mul3A_156 : vector<8x1024xf32>
      %lt3A_158 = arith.cmpf olt, %sub3A_157, %select_n3A_141 : vector<8x1024xf32>
      %mul3A_159 = arith.constant 8 : i32
      %mul3A_160 = arith.muli %scan3A_144, %mul3A_159 : i32
      %add3A_161 = arith.addi %mul3A_20, %mul3A_160 : i32
      %add3A_162 = vector.broadcast %add3A_161 : i32 to vector<8x1024xi32>
      %add3A_163 = arith.addi %iota3A, %add3A_162 : vector<8x1024xi32>
      %select_n3A_164 = arith.select %lt3A_158, %sub3A_157, %select_n3A_141 : vector<8x1024xi1>, vector<8x1024xf32>
      %select_n3A_165 = arith.select %lt3A_158, %add3A_163, %select_n3A_142 : vector<8x1024xi1>, vector<8x1024xi32>
      %scan3A_166 = arith.constant 3 : i32
      %scan3A_167 = arith.addi %scan3A_100, %scan3A_166 : i32
      %mul3A_168 = arith.constant 8 : i32
      %mul3A_169 = arith.muli %scan3A_167, %mul3A_168 : i32
      %multiple_of3A_170 = tpu.assume_multiple %mul3A_169, 8 : i32
      %get3A_171 = arith.index_cast %multiple_of3A_170 : i32 to index
      %get3A_172 = arith.constant 0 : index
      %get3A_173 = vector.load %arg6[%get3A_171, %get3A_172] : memref<512x4096xf32, #tpu.memory_space<vmem>>, vector<8x1024xf32>
      %get3A_174 = arith.index_cast %multiple_of3A_170 : i32 to index
      %get3A_175 = arith.constant 0 : index
      %get3A_176 = vector.load %arg7[%get3A_174, %get3A_175] : memref<512x4096xf32, #tpu.memory_space<vmem>>, vector<8x1024xf32>
      %mul3A_177 = arith.constant 2.000000e+00 : f32
      %mul3A_178 = vector.broadcast %mul3A_177 : f32 to vector<8x1024xf32>
      %mul3A_179 = arith.mulf %mul3A_178, %get3A_176 : vector<8x1024xf32>
      %sub3A_180 = arith.subf %get3A_173, %mul3A_179 : vector<8x1024xf32>
      %lt3A_181 = arith.cmpf olt, %sub3A_180, %select_n3A_164 : vector<8x1024xf32>
      %mul3A_182 = arith.constant 8 : i32
      %mul3A_183 = arith.muli %scan3A_167, %mul3A_182 : i32
      %add3A_184 = arith.addi %mul3A_20, %mul3A_183 : i32
      %add3A_185 = vector.broadcast %add3A_184 : i32 to vector<8x1024xi32>
      %add3A_186 = arith.addi %iota3A, %add3A_185 : vector<8x1024xi32>
      %select_n3A_187 = arith.select %lt3A_181, %sub3A_180, %select_n3A_164 : vector<8x1024xi1>, vector<8x1024xf32>
      %select_n3A_188 = arith.select %lt3A_181, %add3A_186, %select_n3A_165 : vector<8x1024xi1>, vector<8x1024xi32>
      %scan3A_189 = arith.constant 4 : i32
      %scan3A_190 = arith.addi %scan3A_100, %scan3A_189 : i32
      %mul3A_191 = arith.constant 8 : i32
      %mul3A_192 = arith.muli %scan3A_190, %mul3A_191 : i32
      %multiple_of3A_193 = tpu.assume_multiple %mul3A_192, 8 : i32
      %get3A_194 = arith.index_cast %multiple_of3A_193 : i32 to index
      %get3A_195 = arith.constant 0 : index
      %get3A_196 = vector.load %arg6[%get3A_194, %get3A_195] : memref<512x4096xf32, #tpu.memory_space<vmem>>, vector<8x1024xf32>
      %get3A_197 = arith.index_cast %multiple_of3A_193 : i32 to index
      %get3A_198 = arith.constant 0 : index
      %get3A_199 = vector.load %arg7[%get3A_197, %get3A_198] : memref<512x4096xf32, #tpu.memory_space<vmem>>, vector<8x1024xf32>
      %mul3A_200 = arith.constant 2.000000e+00 : f32
      %mul3A_201 = vector.broadcast %mul3A_200 : f32 to vector<8x1024xf32>
      %mul3A_202 = arith.mulf %mul3A_201, %get3A_199 : vector<8x1024xf32>
      %sub3A_203 = arith.subf %get3A_196, %mul3A_202 : vector<8x1024xf32>
      %lt3A_204 = arith.cmpf olt, %sub3A_203, %select_n3A_187 : vector<8x1024xf32>
      %mul3A_205 = arith.constant 8 : i32
      %mul3A_206 = arith.muli %scan3A_190, %mul3A_205 : i32
      %add3A_207 = arith.addi %mul3A_20, %mul3A_206 : i32
      %add3A_208 = vector.broadcast %add3A_207 : i32 to vector<8x1024xi32>
      %add3A_209 = arith.addi %iota3A, %add3A_208 : vector<8x1024xi32>
      %select_n3A_210 = arith.select %lt3A_204, %sub3A_203, %select_n3A_187 : vector<8x1024xi1>, vector<8x1024xf32>
      %select_n3A_211 = arith.select %lt3A_204, %add3A_209, %select_n3A_188 : vector<8x1024xi1>, vector<8x1024xi32>
      %scan3A_212 = arith.constant 5 : i32
      %scan3A_213 = arith.addi %scan3A_100, %scan3A_212 : i32
      %mul3A_214 = arith.constant 8 : i32
      %mul3A_215 = arith.muli %scan3A_213, %mul3A_214 : i32
      %multiple_of3A_216 = tpu.assume_multiple %mul3A_215, 8 : i32
      %get3A_217 = arith.index_cast %multiple_of3A_216 : i32 to index
      %get3A_218 = arith.constant 0 : index
      %get3A_219 = vector.load %arg6[%get3A_217, %get3A_218] : memref<512x4096xf32, #tpu.memory_space<vmem>>, vector<8x1024xf32>
      %get3A_220 = arith.index_cast %multiple_of3A_216 : i32 to index
      %get3A_221 = arith.constant 0 : index
      %get3A_222 = vector.load %arg7[%get3A_220, %get3A_221] : memref<512x4096xf32, #tpu.memory_space<vmem>>, vector<8x1024xf32>
      %mul3A_223 = arith.constant 2.000000e+00 : f32
      %mul3A_224 = vector.broadcast %mul3A_223 : f32 to vector<8x1024xf32>
      %mul3A_225 = arith.mulf %mul3A_224, %get3A_222 : vector<8x1024xf32>
      %sub3A_226 = arith.subf %get3A_219, %mul3A_225 : vector<8x1024xf32>
      %lt3A_227 = arith.cmpf olt, %sub3A_226, %select_n3A_210 : vector<8x1024xf32>
      %mul3A_228 = arith.constant 8 : i32
      %mul3A_229 = arith.muli %scan3A_213, %mul3A_228 : i32
      %add3A_230 = arith.addi %mul3A_20, %mul3A_229 : i32
      %add3A_231 = vector.broadcast %add3A_230 : i32 to vector<8x1024xi32>
      %add3A_232 = arith.addi %iota3A, %add3A_231 : vector<8x1024xi32>
      %select_n3A_233 = arith.select %lt3A_227, %sub3A_226, %select_n3A_210 : vector<8x1024xi1>, vector<8x1024xf32>
      %select_n3A_234 = arith.select %lt3A_227, %add3A_232, %select_n3A_211 : vector<8x1024xi1>, vector<8x1024xi32>
      %scan3A_235 = arith.constant 6 : i32
      %scan3A_236 = arith.addi %scan3A_100, %scan3A_235 : i32
      %mul3A_237 = arith.constant 8 : i32
      %mul3A_238 = arith.muli %scan3A_236, %mul3A_237 : i32
      %multiple_of3A_239 = tpu.assume_multiple %mul3A_238, 8 : i32
      %get3A_240 = arith.index_cast %multiple_of3A_239 : i32 to index
      %get3A_241 = arith.constant 0 : index
      %get3A_242 = vector.load %arg6[%get3A_240, %get3A_241] : memref<512x4096xf32, #tpu.memory_space<vmem>>, vector<8x1024xf32>
      %get3A_243 = arith.index_cast %multiple_of3A_239 : i32 to index
      %get3A_244 = arith.constant 0 : index
      %get3A_245 = vector.load %arg7[%get3A_243, %get3A_244] : memref<512x4096xf32, #tpu.memory_space<vmem>>, vector<8x1024xf32>
      %mul3A_246 = arith.constant 2.000000e+00 : f32
      %mul3A_247 = vector.broadcast %mul3A_246 : f32 to vector<8x1024xf32>
      %mul3A_248 = arith.mulf %mul3A_247, %get3A_245 : vector<8x1024xf32>
      %sub3A_249 = arith.subf %get3A_242, %mul3A_248 : vector<8x1024xf32>
      %lt3A_250 = arith.cmpf olt, %sub3A_249, %select_n3A_233 : vector<8x1024xf32>
      %mul3A_251 = arith.constant 8 : i32
      %mul3A_252 = arith.muli %scan3A_236, %mul3A_251 : i32
      %add3A_253 = arith.addi %mul3A_20, %mul3A_252 : i32
      %add3A_254 = vector.broadcast %add3A_253 : i32 to vector<8x1024xi32>
      %add3A_255 = arith.addi %iota3A, %add3A_254 : vector<8x1024xi32>
      %select_n3A_256 = arith.select %lt3A_250, %sub3A_249, %select_n3A_233 : vector<8x1024xi1>, vector<8x1024xf32>
      %select_n3A_257 = arith.select %lt3A_250, %add3A_255, %select_n3A_234 : vector<8x1024xi1>, vector<8x1024xi32>
      %scan3A_258 = arith.constant 7 : i32
      %scan3A_259 = arith.addi %scan3A_100, %scan3A_258 : i32
      %mul3A_260 = arith.constant 8 : i32
      %mul3A_261 = arith.muli %scan3A_259, %mul3A_260 : i32
      %multiple_of3A_262 = tpu.assume_multiple %mul3A_261, 8 : i32
      %get3A_263 = arith.index_cast %multiple_of3A_262 : i32 to index
      %get3A_264 = arith.constant 0 : index
      %get3A_265 = vector.load %arg6[%get3A_263, %get3A_264] : memref<512x4096xf32, #tpu.memory_space<vmem>>, vector<8x1024xf32>
      %get3A_266 = arith.index_cast %multiple_of3A_262 : i32 to index
      %get3A_267 = arith.constant 0 : index
      %get3A_268 = vector.load %arg7[%get3A_266, %get3A_267] : memref<512x4096xf32, #tpu.memory_space<vmem>>, vector<8x1024xf32>
      %mul3A_269 = arith.constant 2.000000e+00 : f32
      %mul3A_270 = vector.broadcast %mul3A_269 : f32 to vector<8x1024xf32>
      %mul3A_271 = arith.mulf %mul3A_270, %get3A_268 : vector<8x1024xf32>
      %sub3A_272 = arith.subf %get3A_265, %mul3A_271 : vector<8x1024xf32>
      %lt3A_273 = arith.cmpf olt, %sub3A_272, %select_n3A_256 : vector<8x1024xf32>
      %mul3A_274 = arith.constant 8 : i32
      %mul3A_275 = arith.muli %scan3A_259, %mul3A_274 : i32
      %add3A_276 = arith.addi %mul3A_20, %mul3A_275 : i32
      %add3A_277 = vector.broadcast %add3A_276 : i32 to vector<8x1024xi32>
      %add3A_278 = arith.addi %iota3A, %add3A_277 : vector<8x1024xi32>
      %select_n3A_279 = arith.select %lt3A_273, %sub3A_272, %select_n3A_256 : vector<8x1024xi1>, vector<8x1024xf32>
      %select_n3A_280 = arith.select %lt3A_273, %add3A_278, %select_n3A_257 : vector<8x1024xi1>, vector<8x1024xi32>
      scf.yield %select_n3A_279, %select_n3A_280 : vector<8x1024xf32>, vector<8x1024xi32>
    }
    %scan3A_31 = arith.constant 64 : i32
    %swap3A_32 = arith.constant 0 : index
    %swap3A_33 = arith.constant 0 : index
    %swap3A_34 = vector.load %arg8[%swap3A_32, %swap3A_33] : memref<8x4096xf32, #tpu.memory_space<vmem>>, vector<8x1024xf32>
    tpu.vector_store %arg8[%swap3A_32, %swap3A_33], %scan3A_30#0 {strides = array<i32>} : memref<8x4096xf32, #tpu.memory_space<vmem>>, vector<8x1024xf32>,
    %swap3A_35 = arith.constant 0 : index
    %swap3A_36 = arith.constant 0 : index
    %swap3A_37 = vector.load %arg9[%swap3A_35, %swap3A_36] : memref<8x4096xi32, #tpu.memory_space<vmem>>, vector<8x1024xi32>
    tpu.vector_store %arg9[%swap3A_35, %swap3A_36], %scan3A_30#1 {strides = array<i32>} : memref<8x4096xi32, #tpu.memory_space<vmem>>, vector<8x1024xi32>,
    %iota3A_38 = tpu.iota {dimensions = array<i32: 0>} : vector<8x1024xi32>
    %get3A_39 = arith.constant 0 : index
    %get3A_40 = arith.constant 1024 : index
    %get3A_41 = vector.load %arg8[%get3A_39, %get3A_40] : memref<8x4096xf32, #tpu.memory_space<vmem>>, vector<8x1024xf32>
    %get3A_42 = arith.constant 0 : index
    %get3A_43 = arith.constant 1024 : index
    %get3A_44 = vector.load %arg9[%get3A_42, %get3A_43] : memref<8x4096xi32, #tpu.memory_space<vmem>>, vector<8x1024xi32>
    %scan3A_45 = arith.constant 0 : i32
    %scan3A_46 = arith.constant 64 : i32
    %scan3A_47 = arith.addi %scan3A_45, %scan3A_46 : i32
    %scan3A_48 = arith.constant 8 : i32
    %scan3A_49:2 = scf.for %scan3A_100 = %scan3A_45 to %scan3A_47 step %scan3A_48 iter_args(%scan3A_101 = %get3A_41, %scan3A_102 = %get3A_44) -> (vector<8x1024xf32>, vector<8x1024xi32>)  : i32 {
      %mul3A_103 = arith.constant 8 : i32
      %mul3A_104 = arith.muli %scan3A_100, %mul3A_103 : i32
      %multiple_of3A = tpu.assume_multiple %mul3A_104, 8 : i32
      %get3A_105 = arith.index_cast %multiple_of3A : i32 to index
      %get3A_106 = arith.constant 1024 : index
      %get3A_107 = vector.load %arg6[%get3A_105, %get3A_106] : memref<512x4096xf32, #tpu.memory_space<vmem>>, vector<8x1024xf32>
      %get3A_108 = arith.index_cast %multiple_of3A : i32 to index
      %get3A_109 = arith.constant 1024 : index
      %get3A_110 = vector.load %arg7[%get3A_108, %get3A_109] : memref<512x4096xf32, #tpu.memory_space<vmem>>, vector<8x1024xf32>
      %mul3A_111 = arith.constant 2.000000e+00 : f32
      %mul3A_112 = vector.broadcast %mul3A_111 : f32 to vector<8x1024xf32>
      %mul3A_113 = arith.mulf %mul3A_112, %get3A_110 : vector<8x1024xf32>
      %sub3A = arith.subf %get3A_107, %mul3A_113 : vector<8x1024xf32>
      %lt3A = arith.cmpf olt, %sub3A, %scan3A_101 : vector<8x1024xf32>
      %mul3A_114 = arith.constant 8 : i32
      %mul3A_115 = arith.muli %scan3A_100, %mul3A_114 : i32
      %add3A_116 = arith.addi %mul3A_20, %mul3A_115 : i32
      %add3A_117 = vector.broadcast %add3A_116 : i32 to vector<8x1024xi32>
      %add3A_118 = arith.addi %iota3A_38, %add3A_117 : vector<8x1024xi32>
      %select_n3A = arith.select %lt3A, %sub3A, %scan3A_101 : vector<8x1024xi1>, vector<8x1024xf32>
      %select_n3A_119 = arith.select %lt3A, %add3A_118, %scan3A_102 : vector<8x1024xi1>, vector<8x1024xi32>
      %scan3A_120 = arith.constant 1 : i32
      %scan3A_121 = arith.addi %scan3A_100, %scan3A_120 : i32
      %mul3A_122 = arith.constant 8 : i32
      %mul3A_123 = arith.muli %scan3A_121, %mul3A_122 : i32
      %multiple_of3A_124 = tpu.assume_multiple %mul3A_123, 8 : i32
      %get3A_125 = arith.index_cast %multiple_of3A_124 : i32 to index
      %get3A_126 = arith.constant 1024 : index
      %get3A_127 = vector.load %arg6[%get3A_125, %get3A_126] : memref<512x4096xf32, #tpu.memory_space<vmem>>, vector<8x1024xf32>
      %get3A_128 = arith.index_cast %multiple_of3A_124 : i32 to index
      %get3A_129 = arith.constant 1024 : index
      %get3A_130 = vector.load %arg7[%get3A_128, %get3A_129] : memref<512x4096xf32, #tpu.memory_space<vmem>>, vector<8x1024xf32>
      %mul3A_131 = arith.constant 2.000000e+00 : f32
      %mul3A_132 = vector.broadcast %mul3A_131 : f32 to vector<8x1024xf32>
      %mul3A_133 = arith.mulf %mul3A_132, %get3A_130 : vector<8x1024xf32>
      %sub3A_134 = arith.subf %get3A_127, %mul3A_133 : vector<8x1024xf32>
      %lt3A_135 = arith.cmpf olt, %sub3A_134, %select_n3A : vector<8x1024xf32>
      %mul3A_136 = arith.constant 8 : i32
      %mul3A_137 = arith.muli %scan3A_121, %mul3A_136 : i32
      %add3A_138 = arith.addi %mul3A_20, %mul3A_137 : i32
      %add3A_139 = vector.broadcast %add3A_138 : i32 to vector<8x1024xi32>
      %add3A_140 = arith.addi %iota3A_38, %add3A_139 : vector<8x1024xi32>
      %select_n3A_141 = arith.select %lt3A_135, %sub3A_134, %select_n3A : vector<8x1024xi1>, vector<8x1024xf32>
      %select_n3A_142 = arith.select %lt3A_135, %add3A_140, %select_n3A_119 : vector<8x1024xi1>, vector<8x1024xi32>
      %scan3A_143 = arith.constant 2 : i32
      %scan3A_144 = arith.addi %scan3A_100, %scan3A_143 : i32
      %mul3A_145 = arith.constant 8 : i32
      %mul3A_146 = arith.muli %scan3A_144, %mul3A_145 : i32
      %multiple_of3A_147 = tpu.assume_multiple %mul3A_146, 8 : i32
      %get3A_148 = arith.index_cast %multiple_of3A_147 : i32 to index
      %get3A_149 = arith.constant 1024 : index
      %get3A_150 = vector.load %arg6[%get3A_148, %get3A_149] : memref<512x4096xf32, #tpu.memory_space<vmem>>, vector<8x1024xf32>
      %get3A_151 = arith.index_cast %multiple_of3A_147 : i32 to index
      %get3A_152 = arith.constant 1024 : index
      %get3A_153 = vector.load %arg7[%get3A_151, %get3A_152] : memref<512x4096xf32, #tpu.memory_space<vmem>>, vector<8x1024xf32>
      %mul3A_154 = arith.constant 2.000000e+00 : f32
      %mul3A_155 = vector.broadcast %mul3A_154 : f32 to vector<8x1024xf32>
      %mul3A_156 = arith.mulf %mul3A_155, %get3A_153 : vector<8x1024xf32>
      %sub3A_157 = arith.subf %get3A_150, %mul3A_156 : vector<8x1024xf32>
      %lt3A_158 = arith.cmpf olt, %sub3A_157, %select_n3A_141 : vector<8x1024xf32>
      %mul3A_159 = arith.constant 8 : i32
      %mul3A_160 = arith.muli %scan3A_144, %mul3A_159 : i32
      %add3A_161 = arith.addi %mul3A_20, %mul3A_160 : i32
      %add3A_162 = vector.broadcast %add3A_161 : i32 to vector<8x1024xi32>
      %add3A_163 = arith.addi %iota3A_38, %add3A_162 : vector<8x1024xi32>
      %select_n3A_164 = arith.select %lt3A_158, %sub3A_157, %select_n3A_141 : vector<8x1024xi1>, vector<8x1024xf32>
      %select_n3A_165 = arith.select %lt3A_158, %add3A_163, %select_n3A_142 : vector<8x1024xi1>, vector<8x1024xi32>
      %scan3A_166 = arith.constant 3 : i32
      %scan3A_167 = arith.addi %scan3A_100, %scan3A_166 : i32
      %mul3A_168 = arith.constant 8 : i32
      %mul3A_169 = arith.muli %scan3A_167, %mul3A_168 : i32
      %multiple_of3A_170 = tpu.assume_multiple %mul3A_169, 8 : i32
      %get3A_171 = arith.index_cast %multiple_of3A_170 : i32 to index
      %get3A_172 = arith.constant 1024 : index
      %get3A_173 = vector.load %arg6[%get3A_171, %get3A_172] : memref<512x4096xf32, #tpu.memory_space<vmem>>, vector<8x1024xf32>
      %get3A_174 = arith.index_cast %multiple_of3A_170 : i32 to index
      %get3A_175 = arith.constant 1024 : index
      %get3A_176 = vector.load %arg7[%get3A_174, %get3A_175] : memref<512x4096xf32, #tpu.memory_space<vmem>>, vector<8x1024xf32>
      %mul3A_177 = arith.constant 2.000000e+00 : f32
      %mul3A_178 = vector.broadcast %mul3A_177 : f32 to vector<8x1024xf32>
      %mul3A_179 = arith.mulf %mul3A_178, %get3A_176 : vector<8x1024xf32>
      %sub3A_180 = arith.subf %get3A_173, %mul3A_179 : vector<8x1024xf32>
      %lt3A_181 = arith.cmpf olt, %sub3A_180, %select_n3A_164 : vector<8x1024xf32>
      %mul3A_182 = arith.constant 8 : i32
      %mul3A_183 = arith.muli %scan3A_167, %mul3A_182 : i32
      %add3A_184 = arith.addi %mul3A_20, %mul3A_183 : i32
      %add3A_185 = vector.broadcast %add3A_184 : i32 to vector<8x1024xi32>
      %add3A_186 = arith.addi %iota3A_38, %add3A_185 : vector<8x1024xi32>
      %select_n3A_187 = arith.select %lt3A_181, %sub3A_180, %select_n3A_164 : vector<8x1024xi1>, vector<8x1024xf32>
      %select_n3A_188 = arith.select %lt3A_181, %add3A_186, %select_n3A_165 : vector<8x1024xi1>, vector<8x1024xi32>
      %scan3A_189 = arith.constant 4 : i32
      %scan3A_190 = arith.addi %scan3A_100, %scan3A_189 : i32
      %mul3A_191 = arith.constant 8 : i32
      %mul3A_192 = arith.muli %scan3A_190, %mul3A_191 : i32
      %multiple_of3A_193 = tpu.assume_multiple %mul3A_192, 8 : i32
      %get3A_194 = arith.index_cast %multiple_of3A_193 : i32 to index
      %get3A_195 = arith.constant 1024 : index
      %get3A_196 = vector.load %arg6[%get3A_194, %get3A_195] : memref<512x4096xf32, #tpu.memory_space<vmem>>, vector<8x1024xf32>
      %get3A_197 = arith.index_cast %multiple_of3A_193 : i32 to index
      %get3A_198 = arith.constant 1024 : index
      %get3A_199 = vector.load %arg7[%get3A_197, %get3A_198] : memref<512x4096xf32, #tpu.memory_space<vmem>>, vector<8x1024xf32>
      %mul3A_200 = arith.constant 2.000000e+00 : f32
      %mul3A_201 = vector.broadcast %mul3A_200 : f32 to vector<8x1024xf32>
      %mul3A_202 = arith.mulf %mul3A_201, %get3A_199 : vector<8x1024xf32>
      %sub3A_203 = arith.subf %get3A_196, %mul3A_202 : vector<8x1024xf32>
      %lt3A_204 = arith.cmpf olt, %sub3A_203, %select_n3A_187 : vector<8x1024xf32>
      %mul3A_205 = arith.constant 8 : i32
      %mul3A_206 = arith.muli %scan3A_190, %mul3A_205 : i32
      %add3A_207 = arith.addi %mul3A_20, %mul3A_206 : i32
      %add3A_208 = vector.broadcast %add3A_207 : i32 to vector<8x1024xi32>
      %add3A_209 = arith.addi %iota3A_38, %add3A_208 : vector<8x1024xi32>
      %select_n3A_210 = arith.select %lt3A_204, %sub3A_203, %select_n3A_187 : vector<8x1024xi1>, vector<8x1024xf32>
      %select_n3A_211 = arith.select %lt3A_204, %add3A_209, %select_n3A_188 : vector<8x1024xi1>, vector<8x1024xi32>
      %scan3A_212 = arith.constant 5 : i32
      %scan3A_213 = arith.addi %scan3A_100, %scan3A_212 : i32
      %mul3A_214 = arith.constant 8 : i32
      %mul3A_215 = arith.muli %scan3A_213, %mul3A_214 : i32
      %multiple_of3A_216 = tpu.assume_multiple %mul3A_215, 8 : i32
      %get3A_217 = arith.index_cast %multiple_of3A_216 : i32 to index
      %get3A_218 = arith.constant 1024 : index
      %get3A_219 = vector.load %arg6[%get3A_217, %get3A_218] : memref<512x4096xf32, #tpu.memory_space<vmem>>, vector<8x1024xf32>
      %get3A_220 = arith.index_cast %multiple_of3A_216 : i32 to index
      %get3A_221 = arith.constant 1024 : index
      %get3A_222 = vector.load %arg7[%get3A_220, %get3A_221] : memref<512x4096xf32, #tpu.memory_space<vmem>>, vector<8x1024xf32>
      %mul3A_223 = arith.constant 2.000000e+00 : f32
      %mul3A_224 = vector.broadcast %mul3A_223 : f32 to vector<8x1024xf32>
      %mul3A_225 = arith.mulf %mul3A_224, %get3A_222 : vector<8x1024xf32>
      %sub3A_226 = arith.subf %get3A_219, %mul3A_225 : vector<8x1024xf32>
      %lt3A_227 = arith.cmpf olt, %sub3A_226, %select_n3A_210 : vector<8x1024xf32>
      %mul3A_228 = arith.constant 8 : i32
      %mul3A_229 = arith.muli %scan3A_213, %mul3A_228 : i32
      %add3A_230 = arith.addi %mul3A_20, %mul3A_229 : i32
      %add3A_231 = vector.broadcast %add3A_230 : i32 to vector<8x1024xi32>
      %add3A_232 = arith.addi %iota3A_38, %add3A_231 : vector<8x1024xi32>
      %select_n3A_233 = arith.select %lt3A_227, %sub3A_226, %select_n3A_210 : vector<8x1024xi1>, vector<8x1024xf32>
      %select_n3A_234 = arith.select %lt3A_227, %add3A_232, %select_n3A_211 : vector<8x1024xi1>, vector<8x1024xi32>
      %scan3A_235 = arith.constant 6 : i32
      %scan3A_236 = arith.addi %scan3A_100, %scan3A_235 : i32
      %mul3A_237 = arith.constant 8 : i32
      %mul3A_238 = arith.muli %scan3A_236, %mul3A_237 : i32
      %multiple_of3A_239 = tpu.assume_multiple %mul3A_238, 8 : i32
      %get3A_240 = arith.index_cast %multiple_of3A_239 : i32 to index
      %get3A_241 = arith.constant 1024 : index
      %get3A_242 = vector.load %arg6[%get3A_240, %get3A_241] : memref<512x4096xf32, #tpu.memory_space<vmem>>, vector<8x1024xf32>
      %get3A_243 = arith.index_cast %multiple_of3A_239 : i32 to index
      %get3A_244 = arith.constant 1024 : index
      %get3A_245 = vector.load %arg7[%get3A_243, %get3A_244] : memref<512x4096xf32, #tpu.memory_space<vmem>>, vector<8x1024xf32>
      %mul3A_246 = arith.constant 2.000000e+00 : f32
      %mul3A_247 = vector.broadcast %mul3A_246 : f32 to vector<8x1024xf32>
      %mul3A_248 = arith.mulf %mul3A_247, %get3A_245 : vector<8x1024xf32>
      %sub3A_249 = arith.subf %get3A_242, %mul3A_248 : vector<8x1024xf32>
      %lt3A_250 = arith.cmpf olt, %sub3A_249, %select_n3A_233 : vector<8x1024xf32>
      %mul3A_251 = arith.constant 8 : i32
      %mul3A_252 = arith.muli %scan3A_236, %mul3A_251 : i32
      %add3A_253 = arith.addi %mul3A_20, %mul3A_252 : i32
      %add3A_254 = vector.broadcast %add3A_253 : i32 to vector<8x1024xi32>
      %add3A_255 = arith.addi %iota3A_38, %add3A_254 : vector<8x1024xi32>
      %select_n3A_256 = arith.select %lt3A_250, %sub3A_249, %select_n3A_233 : vector<8x1024xi1>, vector<8x1024xf32>
      %select_n3A_257 = arith.select %lt3A_250, %add3A_255, %select_n3A_234 : vector<8x1024xi1>, vector<8x1024xi32>
      %scan3A_258 = arith.constant 7 : i32
      %scan3A_259 = arith.addi %scan3A_100, %scan3A_258 : i32
      %mul3A_260 = arith.constant 8 : i32
      %mul3A_261 = arith.muli %scan3A_259, %mul3A_260 : i32
      %multiple_of3A_262 = tpu.assume_multiple %mul3A_261, 8 : i32
      %get3A_263 = arith.index_cast %multiple_of3A_262 : i32 to index
      %get3A_264 = arith.constant 1024 : index
      %get3A_265 = vector.load %arg6[%get3A_263, %get3A_264] : memref<512x4096xf32, #tpu.memory_space<vmem>>, vector<8x1024xf32>
      %get3A_266 = arith.index_cast %multiple_of3A_262 : i32 to index
      %get3A_267 = arith.constant 1024 : index
      %get3A_268 = vector.load %arg7[%get3A_266, %get3A_267] : memref<512x4096xf32, #tpu.memory_space<vmem>>, vector<8x1024xf32>
      %mul3A_269 = arith.constant 2.000000e+00 : f32
      %mul3A_270 = vector.broadcast %mul3A_269 : f32 to vector<8x1024xf32>
      %mul3A_271 = arith.mulf %mul3A_270, %get3A_268 : vector<8x1024xf32>
      %sub3A_272 = arith.subf %get3A_265, %mul3A_271 : vector<8x1024xf32>
      %lt3A_273 = arith.cmpf olt, %sub3A_272, %select_n3A_256 : vector<8x1024xf32>
      %mul3A_274 = arith.constant 8 : i32
      %mul3A_275 = arith.muli %scan3A_259, %mul3A_274 : i32
      %add3A_276 = arith.addi %mul3A_20, %mul3A_275 : i32
      %add3A_277 = vector.broadcast %add3A_276 : i32 to vector<8x1024xi32>
      %add3A_278 = arith.addi %iota3A_38, %add3A_277 : vector<8x1024xi32>
      %select_n3A_279 = arith.select %lt3A_273, %sub3A_272, %select_n3A_256 : vector<8x1024xi1>, vector<8x1024xf32>
      %select_n3A_280 = arith.select %lt3A_273, %add3A_278, %select_n3A_257 : vector<8x1024xi1>, vector<8x1024xi32>
      scf.yield %select_n3A_279, %select_n3A_280 : vector<8x1024xf32>, vector<8x1024xi32>
    }
    %scan3A_50 = arith.constant 64 : i32
    %swap3A_51 = arith.constant 0 : index
    %swap3A_52 = arith.constant 1024 : index
    %swap3A_53 = vector.load %arg8[%swap3A_51, %swap3A_52] : memref<8x4096xf32, #tpu.memory_space<vmem>>, vector<8x1024xf32>
    tpu.vector_store %arg8[%swap3A_51, %swap3A_52], %scan3A_49#0 {strides = array<i32>} : memref<8x4096xf32, #tpu.memory_space<vmem>>, vector<8x1024xf32>,
    %swap3A_54 = arith.constant 0 : index
    %swap3A_55 = arith.constant 1024 : index
    %swap3A_56 = vector.load %arg9[%swap3A_54, %swap3A_55] : memref<8x4096xi32, #tpu.memory_space<vmem>>, vector<8x1024xi32>
    tpu.vector_store %arg9[%swap3A_54, %swap3A_55], %scan3A_49#1 {strides = array<i32>} : memref<8x4096xi32, #tpu.memory_space<vmem>>, vector<8x1024xi32>,
    %iota3A_57 = tpu.iota {dimensions = array<i32: 0>} : vector<8x1024xi32>
    %get3A_58 = arith.constant 0 : index
    %get3A_59 = arith.constant 2048 : index
    %get3A_60 = vector.load %arg8[%get3A_58, %get3A_59] : memref<8x4096xf32, #tpu.memory_space<vmem>>, vector<8x1024xf32>
    %get3A_61 = arith.constant 0 : index
    %get3A_62 = arith.constant 2048 : index
    %get3A_63 = vector.load %arg9[%get3A_61, %get3A_62] : memref<8x4096xi32, #tpu.memory_space<vmem>>, vector<8x1024xi32>
    %scan3A_64 = arith.constant 0 : i32
    %scan3A_65 = arith.constant 64 : i32
    %scan3A_66 = arith.addi %scan3A_64, %scan3A_65 : i32
    %scan3A_67 = arith.constant 8 : i32
    %scan3A_68:2 = scf.for %scan3A_100 = %scan3A_64 to %scan3A_66 step %scan3A_67 iter_args(%scan3A_101 = %get3A_60, %scan3A_102 = %get3A_63) -> (vector<8x1024xf32>, vector<8x1024xi32>)  : i32 {
      %mul3A_103 = arith.constant 8 : i32
      %mul3A_104 = arith.muli %scan3A_100, %mul3A_103 : i32
      %multiple_of3A = tpu.assume_multiple %mul3A_104, 8 : i32
      %get3A_105 = arith.index_cast %multiple_of3A : i32 to index
      %get3A_106 = arith.constant 2048 : index
      %get3A_107 = vector.load %arg6[%get3A_105, %get3A_106] : memref<512x4096xf32, #tpu.memory_space<vmem>>, vector<8x1024xf32>
      %get3A_108 = arith.index_cast %multiple_of3A : i32 to index
      %get3A_109 = arith.constant 2048 : index
      %get3A_110 = vector.load %arg7[%get3A_108, %get3A_109] : memref<512x4096xf32, #tpu.memory_space<vmem>>, vector<8x1024xf32>
      %mul3A_111 = arith.constant 2.000000e+00 : f32
      %mul3A_112 = vector.broadcast %mul3A_111 : f32 to vector<8x1024xf32>
      %mul3A_113 = arith.mulf %mul3A_112, %get3A_110 : vector<8x1024xf32>
      %sub3A = arith.subf %get3A_107, %mul3A_113 : vector<8x1024xf32>
      %lt3A = arith.cmpf olt, %sub3A, %scan3A_101 : vector<8x1024xf32>
      %mul3A_114 = arith.constant 8 : i32
      %mul3A_115 = arith.muli %scan3A_100, %mul3A_114 : i32
      %add3A_116 = arith.addi %mul3A_20, %mul3A_115 : i32
      %add3A_117 = vector.broadcast %add3A_116 : i32 to vector<8x1024xi32>
      %add3A_118 = arith.addi %iota3A_57, %add3A_117 : vector<8x1024xi32>
      %select_n3A = arith.select %lt3A, %sub3A, %scan3A_101 : vector<8x1024xi1>, vector<8x1024xf32>
      %select_n3A_119 = arith.select %lt3A, %add3A_118, %scan3A_102 : vector<8x1024xi1>, vector<8x1024xi32>
      %scan3A_120 = arith.constant 1 : i32
      %scan3A_121 = arith.addi %scan3A_100, %scan3A_120 : i32
      %mul3A_122 = arith.constant 8 : i32
      %mul3A_123 = arith.muli %scan3A_121, %mul3A_122 : i32
      %multiple_of3A_124 = tpu.assume_multiple %mul3A_123, 8 : i32
      %get3A_125 = arith.index_cast %multiple_of3A_124 : i32 to index
      %get3A_126 = arith.constant 2048 : index
      %get3A_127 = vector.load %arg6[%get3A_125, %get3A_126] : memref<512x4096xf32, #tpu.memory_space<vmem>>, vector<8x1024xf32>
      %get3A_128 = arith.index_cast %multiple_of3A_124 : i32 to index
      %get3A_129 = arith.constant 2048 : index
      %get3A_130 = vector.load %arg7[%get3A_128, %get3A_129] : memref<512x4096xf32, #tpu.memory_space<vmem>>, vector<8x1024xf32>
      %mul3A_131 = arith.constant 2.000000e+00 : f32
      %mul3A_132 = vector.broadcast %mul3A_131 : f32 to vector<8x1024xf32>
      %mul3A_133 = arith.mulf %mul3A_132, %get3A_130 : vector<8x1024xf32>
      %sub3A_134 = arith.subf %get3A_127, %mul3A_133 : vector<8x1024xf32>
      %lt3A_135 = arith.cmpf olt, %sub3A_134, %select_n3A : vector<8x1024xf32>
      %mul3A_136 = arith.constant 8 : i32
      %mul3A_137 = arith.muli %scan3A_121, %mul3A_136 : i32
      %add3A_138 = arith.addi %mul3A_20, %mul3A_137 : i32
      %add3A_139 = vector.broadcast %add3A_138 : i32 to vector<8x1024xi32>
      %add3A_140 = arith.addi %iota3A_57, %add3A_139 : vector<8x1024xi32>
      %select_n3A_141 = arith.select %lt3A_135, %sub3A_134, %select_n3A : vector<8x1024xi1>, vector<8x1024xf32>
      %select_n3A_142 = arith.select %lt3A_135, %add3A_140, %select_n3A_119 : vector<8x1024xi1>, vector<8x1024xi32>
      %scan3A_143 = arith.constant 2 : i32
      %scan3A_144 = arith.addi %scan3A_100, %scan3A_143 : i32
      %mul3A_145 = arith.constant 8 : i32
      %mul3A_146 = arith.muli %scan3A_144, %mul3A_145 : i32
      %multiple_of3A_147 = tpu.assume_multiple %mul3A_146, 8 : i32
      %get3A_148 = arith.index_cast %multiple_of3A_147 : i32 to index
      %get3A_149 = arith.constant 2048 : index
      %get3A_150 = vector.load %arg6[%get3A_148, %get3A_149] : memref<512x4096xf32, #tpu.memory_space<vmem>>, vector<8x1024xf32>
      %get3A_151 = arith.index_cast %multiple_of3A_147 : i32 to index
      %get3A_152 = arith.constant 2048 : index
      %get3A_153 = vector.load %arg7[%get3A_151, %get3A_152] : memref<512x4096xf32, #tpu.memory_space<vmem>>, vector<8x1024xf32>
      %mul3A_154 = arith.constant 2.000000e+00 : f32
      %mul3A_155 = vector.broadcast %mul3A_154 : f32 to vector<8x1024xf32>
      %mul3A_156 = arith.mulf %mul3A_155, %get3A_153 : vector<8x1024xf32>
      %sub3A_157 = arith.subf %get3A_150, %mul3A_156 : vector<8x1024xf32>
      %lt3A_158 = arith.cmpf olt, %sub3A_157, %select_n3A_141 : vector<8x1024xf32>
      %mul3A_159 = arith.constant 8 : i32
      %mul3A_160 = arith.muli %scan3A_144, %mul3A_159 : i32
      %add3A_161 = arith.addi %mul3A_20, %mul3A_160 : i32
      %add3A_162 = vector.broadcast %add3A_161 : i32 to vector<8x1024xi32>
      %add3A_163 = arith.addi %iota3A_57, %add3A_162 : vector<8x1024xi32>
      %select_n3A_164 = arith.select %lt3A_158, %sub3A_157, %select_n3A_141 : vector<8x1024xi1>, vector<8x1024xf32>
      %select_n3A_165 = arith.select %lt3A_158, %add3A_163, %select_n3A_142 : vector<8x1024xi1>, vector<8x1024xi32>
      %scan3A_166 = arith.constant 3 : i32
      %scan3A_167 = arith.addi %scan3A_100, %scan3A_166 : i32
      %mul3A_168 = arith.constant 8 : i32
      %mul3A_169 = arith.muli %scan3A_167, %mul3A_168 : i32
      %multiple_of3A_170 = tpu.assume_multiple %mul3A_169, 8 : i32
      %get3A_171 = arith.index_cast %multiple_of3A_170 : i32 to index
      %get3A_172 = arith.constant 2048 : index
      %get3A_173 = vector.load %arg6[%get3A_171, %get3A_172] : memref<512x4096xf32, #tpu.memory_space<vmem>>, vector<8x1024xf32>
      %get3A_174 = arith.index_cast %multiple_of3A_170 : i32 to index
      %get3A_175 = arith.constant 2048 : index
      %get3A_176 = vector.load %arg7[%get3A_174, %get3A_175] : memref<512x4096xf32, #tpu.memory_space<vmem>>, vector<8x1024xf32>
      %mul3A_177 = arith.constant 2.000000e+00 : f32
      %mul3A_178 = vector.broadcast %mul3A_177 : f32 to vector<8x1024xf32>
      %mul3A_179 = arith.mulf %mul3A_178, %get3A_176 : vector<8x1024xf32>
      %sub3A_180 = arith.subf %get3A_173, %mul3A_179 : vector<8x1024xf32>
      %lt3A_181 = arith.cmpf olt, %sub3A_180, %select_n3A_164 : vector<8x1024xf32>
      %mul3A_182 = arith.constant 8 : i32
      %mul3A_183 = arith.muli %scan3A_167, %mul3A_182 : i32
      %add3A_184 = arith.addi %mul3A_20, %mul3A_183 : i32
      %add3A_185 = vector.broadcast %add3A_184 : i32 to vector<8x1024xi32>
      %add3A_186 = arith.addi %iota3A_57, %add3A_185 : vector<8x1024xi32>
      %select_n3A_187 = arith.select %lt3A_181, %sub3A_180, %select_n3A_164 : vector<8x1024xi1>, vector<8x1024xf32>
      %select_n3A_188 = arith.select %lt3A_181, %add3A_186, %select_n3A_165 : vector<8x1024xi1>, vector<8x1024xi32>
      %scan3A_189 = arith.constant 4 : i32
      %scan3A_190 = arith.addi %scan3A_100, %scan3A_189 : i32
      %mul3A_191 = arith.constant 8 : i32
      %mul3A_192 = arith.muli %scan3A_190, %mul3A_191 : i32
      %multiple_of3A_193 = tpu.assume_multiple %mul3A_192, 8 : i32
      %get3A_194 = arith.index_cast %multiple_of3A_193 : i32 to index
      %get3A_195 = arith.constant 2048 : index
      %get3A_196 = vector.load %arg6[%get3A_194, %get3A_195] : memref<512x4096xf32, #tpu.memory_space<vmem>>, vector<8x1024xf32>
      %get3A_197 = arith.index_cast %multiple_of3A_193 : i32 to index
      %get3A_198 = arith.constant 2048 : index
      %get3A_199 = vector.load %arg7[%get3A_197, %get3A_198] : memref<512x4096xf32, #tpu.memory_space<vmem>>, vector<8x1024xf32>
      %mul3A_200 = arith.constant 2.000000e+00 : f32
      %mul3A_201 = vector.broadcast %mul3A_200 : f32 to vector<8x1024xf32>
      %mul3A_202 = arith.mulf %mul3A_201, %get3A_199 : vector<8x1024xf32>
      %sub3A_203 = arith.subf %get3A_196, %mul3A_202 : vector<8x1024xf32>
      %lt3A_204 = arith.cmpf olt, %sub3A_203, %select_n3A_187 : vector<8x1024xf32>
      %mul3A_205 = arith.constant 8 : i32
      %mul3A_206 = arith.muli %scan3A_190, %mul3A_205 : i32
      %add3A_207 = arith.addi %mul3A_20, %mul3A_206 : i32
      %add3A_208 = vector.broadcast %add3A_207 : i32 to vector<8x1024xi32>
      %add3A_209 = arith.addi %iota3A_57, %add3A_208 : vector<8x1024xi32>
      %select_n3A_210 = arith.select %lt3A_204, %sub3A_203, %select_n3A_187 : vector<8x1024xi1>, vector<8x1024xf32>
      %select_n3A_211 = arith.select %lt3A_204, %add3A_209, %select_n3A_188 : vector<8x1024xi1>, vector<8x1024xi32>
      %scan3A_212 = arith.constant 5 : i32
      %scan3A_213 = arith.addi %scan3A_100, %scan3A_212 : i32
      %mul3A_214 = arith.constant 8 : i32
      %mul3A_215 = arith.muli %scan3A_213, %mul3A_214 : i32
      %multiple_of3A_216 = tpu.assume_multiple %mul3A_215, 8 : i32
      %get3A_217 = arith.index_cast %multiple_of3A_216 : i32 to index
      %get3A_218 = arith.constant 2048 : index
      %get3A_219 = vector.load %arg6[%get3A_217, %get3A_218] : memref<512x4096xf32, #tpu.memory_space<vmem>>, vector<8x1024xf32>
      %get3A_220 = arith.index_cast %multiple_of3A_216 : i32 to index
      %get3A_221 = arith.constant 2048 : index
      %get3A_222 = vector.load %arg7[%get3A_220, %get3A_221] : memref<512x4096xf32, #tpu.memory_space<vmem>>, vector<8x1024xf32>
      %mul3A_223 = arith.constant 2.000000e+00 : f32
      %mul3A_224 = vector.broadcast %mul3A_223 : f32 to vector<8x1024xf32>
      %mul3A_225 = arith.mulf %mul3A_224, %get3A_222 : vector<8x1024xf32>
      %sub3A_226 = arith.subf %get3A_219, %mul3A_225 : vector<8x1024xf32>
      %lt3A_227 = arith.cmpf olt, %sub3A_226, %select_n3A_210 : vector<8x1024xf32>
      %mul3A_228 = arith.constant 8 : i32
      %mul3A_229 = arith.muli %scan3A_213, %mul3A_228 : i32
      %add3A_230 = arith.addi %mul3A_20, %mul3A_229 : i32
      %add3A_231 = vector.broadcast %add3A_230 : i32 to vector<8x1024xi32>
      %add3A_232 = arith.addi %iota3A_57, %add3A_231 : vector<8x1024xi32>
      %select_n3A_233 = arith.select %lt3A_227, %sub3A_226, %select_n3A_210 : vector<8x1024xi1>, vector<8x1024xf32>
      %select_n3A_234 = arith.select %lt3A_227, %add3A_232, %select_n3A_211 : vector<8x1024xi1>, vector<8x1024xi32>
      %scan3A_235 = arith.constant 6 : i32
      %scan3A_236 = arith.addi %scan3A_100, %scan3A_235 : i32
      %mul3A_237 = arith.constant 8 : i32
      %mul3A_238 = arith.muli %scan3A_236, %mul3A_237 : i32
      %multiple_of3A_239 = tpu.assume_multiple %mul3A_238, 8 : i32
      %get3A_240 = arith.index_cast %multiple_of3A_239 : i32 to index
      %get3A_241 = arith.constant 2048 : index
      %get3A_242 = vector.load %arg6[%get3A_240, %get3A_241] : memref<512x4096xf32, #tpu.memory_space<vmem>>, vector<8x1024xf32>
      %get3A_243 = arith.index_cast %multiple_of3A_239 : i32 to index
      %get3A_244 = arith.constant 2048 : index
      %get3A_245 = vector.load %arg7[%get3A_243, %get3A_244] : memref<512x4096xf32, #tpu.memory_space<vmem>>, vector<8x1024xf32>
      %mul3A_246 = arith.constant 2.000000e+00 : f32
      %mul3A_247 = vector.broadcast %mul3A_246 : f32 to vector<8x1024xf32>
      %mul3A_248 = arith.mulf %mul3A_247, %get3A_245 : vector<8x1024xf32>
      %sub3A_249 = arith.subf %get3A_242, %mul3A_248 : vector<8x1024xf32>
      %lt3A_250 = arith.cmpf olt, %sub3A_249, %select_n3A_233 : vector<8x1024xf32>
      %mul3A_251 = arith.constant 8 : i32
      %mul3A_252 = arith.muli %scan3A_236, %mul3A_251 : i32
      %add3A_253 = arith.addi %mul3A_20, %mul3A_252 : i32
      %add3A_254 = vector.broadcast %add3A_253 : i32 to vector<8x1024xi32>
      %add3A_255 = arith.addi %iota3A_57, %add3A_254 : vector<8x1024xi32>
      %select_n3A_256 = arith.select %lt3A_250, %sub3A_249, %select_n3A_233 : vector<8x1024xi1>, vector<8x1024xf32>
      %select_n3A_257 = arith.select %lt3A_250, %add3A_255, %select_n3A_234 : vector<8x1024xi1>, vector<8x1024xi32>
      %scan3A_258 = arith.constant 7 : i32
      %scan3A_259 = arith.addi %scan3A_100, %scan3A_258 : i32
      %mul3A_260 = arith.constant 8 : i32
      %mul3A_261 = arith.muli %scan3A_259, %mul3A_260 : i32
      %multiple_of3A_262 = tpu.assume_multiple %mul3A_261, 8 : i32
      %get3A_263 = arith.index_cast %multiple_of3A_262 : i32 to index
      %get3A_264 = arith.constant 2048 : index
      %get3A_265 = vector.load %arg6[%get3A_263, %get3A_264] : memref<512x4096xf32, #tpu.memory_space<vmem>>, vector<8x1024xf32>
      %get3A_266 = arith.index_cast %multiple_of3A_262 : i32 to index
      %get3A_267 = arith.constant 2048 : index
      %get3A_268 = vector.load %arg7[%get3A_266, %get3A_267] : memref<512x4096xf32, #tpu.memory_space<vmem>>, vector<8x1024xf32>
      %mul3A_269 = arith.constant 2.000000e+00 : f32
      %mul3A_270 = vector.broadcast %mul3A_269 : f32 to vector<8x1024xf32>
      %mul3A_271 = arith.mulf %mul3A_270, %get3A_268 : vector<8x1024xf32>
      %sub3A_272 = arith.subf %get3A_265, %mul3A_271 : vector<8x1024xf32>
      %lt3A_273 = arith.cmpf olt, %sub3A_272, %select_n3A_256 : vector<8x1024xf32>
      %mul3A_274 = arith.constant 8 : i32
      %mul3A_275 = arith.muli %scan3A_259, %mul3A_274 : i32
      %add3A_276 = arith.addi %mul3A_20, %mul3A_275 : i32
      %add3A_277 = vector.broadcast %add3A_276 : i32 to vector<8x1024xi32>
      %add3A_278 = arith.addi %iota3A_57, %add3A_277 : vector<8x1024xi32>
      %select_n3A_279 = arith.select %lt3A_273, %sub3A_272, %select_n3A_256 : vector<8x1024xi1>, vector<8x1024xf32>
      %select_n3A_280 = arith.select %lt3A_273, %add3A_278, %select_n3A_257 : vector<8x1024xi1>, vector<8x1024xi32>
      scf.yield %select_n3A_279, %select_n3A_280 : vector<8x1024xf32>, vector<8x1024xi32>
    }
    %scan3A_69 = arith.constant 64 : i32
    %swap3A_70 = arith.constant 0 : index
    %swap3A_71 = arith.constant 2048 : index
    %swap3A_72 = vector.load %arg8[%swap3A_70, %swap3A_71] : memref<8x4096xf32, #tpu.memory_space<vmem>>, vector<8x1024xf32>
    tpu.vector_store %arg8[%swap3A_70, %swap3A_71], %scan3A_68#0 {strides = array<i32>} : memref<8x4096xf32, #tpu.memory_space<vmem>>, vector<8x1024xf32>,
    %swap3A_73 = arith.constant 0 : index
    %swap3A_74 = arith.constant 2048 : index
    %swap3A_75 = vector.load %arg9[%swap3A_73, %swap3A_74] : memref<8x4096xi32, #tpu.memory_space<vmem>>, vector<8x1024xi32>
    tpu.vector_store %arg9[%swap3A_73, %swap3A_74], %scan3A_68#1 {strides = array<i32>} : memref<8x4096xi32, #tpu.memory_space<vmem>>, vector<8x1024xi32>,
    %iota3A_76 = tpu.iota {dimensions = array<i32: 0>} : vector<8x1024xi32>
    %get3A_77 = arith.constant 0 : index
    %get3A_78 = arith.constant 3072 : index
    %get3A_79 = vector.load %arg8[%get3A_77, %get3A_78] : memref<8x4096xf32, #tpu.memory_space<vmem>>, vector<8x1024xf32>
    %get3A_80 = arith.constant 0 : index
    %get3A_81 = arith.constant 3072 : index
    %get3A_82 = vector.load %arg9[%get3A_80, %get3A_81] : memref<8x4096xi32, #tpu.memory_space<vmem>>, vector<8x1024xi32>
    %scan3A_83 = arith.constant 0 : i32
    %scan3A_84 = arith.constant 64 : i32
    %scan3A_85 = arith.addi %scan3A_83, %scan3A_84 : i32
    %scan3A_86 = arith.constant 8 : i32
    %scan3A_87:2 = scf.for %scan3A_100 = %scan3A_83 to %scan3A_85 step %scan3A_86 iter_args(%scan3A_101 = %get3A_79, %scan3A_102 = %get3A_82) -> (vector<8x1024xf32>, vector<8x1024xi32>)  : i32 {
      %mul3A_103 = arith.constant 8 : i32
      %mul3A_104 = arith.muli %scan3A_100, %mul3A_103 : i32
      %multiple_of3A = tpu.assume_multiple %mul3A_104, 8 : i32
      %get3A_105 = arith.index_cast %multiple_of3A : i32 to index
      %get3A_106 = arith.constant 3072 : index
      %get3A_107 = vector.load %arg6[%get3A_105, %get3A_106] : memref<512x4096xf32, #tpu.memory_space<vmem>>, vector<8x1024xf32>
      %get3A_108 = arith.index_cast %multiple_of3A : i32 to index
      %get3A_109 = arith.constant 3072 : index
      %get3A_110 = vector.load %arg7[%get3A_108, %get3A_109] : memref<512x4096xf32, #tpu.memory_space<vmem>>, vector<8x1024xf32>
      %mul3A_111 = arith.constant 2.000000e+00 : f32
      %mul3A_112 = vector.broadcast %mul3A_111 : f32 to vector<8x1024xf32>
      %mul3A_113 = arith.mulf %mul3A_112, %get3A_110 : vector<8x1024xf32>
      %sub3A = arith.subf %get3A_107, %mul3A_113 : vector<8x1024xf32>
      %lt3A = arith.cmpf olt, %sub3A, %scan3A_101 : vector<8x1024xf32>
      %mul3A_114 = arith.constant 8 : i32
      %mul3A_115 = arith.muli %scan3A_100, %mul3A_114 : i32
      %add3A_116 = arith.addi %mul3A_20, %mul3A_115 : i32
      %add3A_117 = vector.broadcast %add3A_116 : i32 to vector<8x1024xi32>
      %add3A_118 = arith.addi %iota3A_76, %add3A_117 : vector<8x1024xi32>
      %select_n3A = arith.select %lt3A, %sub3A, %scan3A_101 : vector<8x1024xi1>, vector<8x1024xf32>
      %select_n3A_119 = arith.select %lt3A, %add3A_118, %scan3A_102 : vector<8x1024xi1>, vector<8x1024xi32>
      %scan3A_120 = arith.constant 1 : i32
      %scan3A_121 = arith.addi %scan3A_100, %scan3A_120 : i32
      %mul3A_122 = arith.constant 8 : i32
      %mul3A_123 = arith.muli %scan3A_121, %mul3A_122 : i32
      %multiple_of3A_124 = tpu.assume_multiple %mul3A_123, 8 : i32
      %get3A_125 = arith.index_cast %multiple_of3A_124 : i32 to index
      %get3A_126 = arith.constant 3072 : index
      %get3A_127 = vector.load %arg6[%get3A_125, %get3A_126] : memref<512x4096xf32, #tpu.memory_space<vmem>>, vector<8x1024xf32>
      %get3A_128 = arith.index_cast %multiple_of3A_124 : i32 to index
      %get3A_129 = arith.constant 3072 : index
      %get3A_130 = vector.load %arg7[%get3A_128, %get3A_129] : memref<512x4096xf32, #tpu.memory_space<vmem>>, vector<8x1024xf32>
      %mul3A_131 = arith.constant 2.000000e+00 : f32
      %mul3A_132 = vector.broadcast %mul3A_131 : f32 to vector<8x1024xf32>
      %mul3A_133 = arith.mulf %mul3A_132, %get3A_130 : vector<8x1024xf32>
      %sub3A_134 = arith.subf %get3A_127, %mul3A_133 : vector<8x1024xf32>
      %lt3A_135 = arith.cmpf olt, %sub3A_134, %select_n3A : vector<8x1024xf32>
      %mul3A_136 = arith.constant 8 : i32
      %mul3A_137 = arith.muli %scan3A_121, %mul3A_136 : i32
      %add3A_138 = arith.addi %mul3A_20, %mul3A_137 : i32
      %add3A_139 = vector.broadcast %add3A_138 : i32 to vector<8x1024xi32>
      %add3A_140 = arith.addi %iota3A_76, %add3A_139 : vector<8x1024xi32>
      %select_n3A_141 = arith.select %lt3A_135, %sub3A_134, %select_n3A : vector<8x1024xi1>, vector<8x1024xf32>
      %select_n3A_142 = arith.select %lt3A_135, %add3A_140, %select_n3A_119 : vector<8x1024xi1>, vector<8x1024xi32>
      %scan3A_143 = arith.constant 2 : i32
      %scan3A_144 = arith.addi %scan3A_100, %scan3A_143 : i32
      %mul3A_145 = arith.constant 8 : i32
      %mul3A_146 = arith.muli %scan3A_144, %mul3A_145 : i32
      %multiple_of3A_147 = tpu.assume_multiple %mul3A_146, 8 : i32
      %get3A_148 = arith.index_cast %multiple_of3A_147 : i32 to index
      %get3A_149 = arith.constant 3072 : index
      %get3A_150 = vector.load %arg6[%get3A_148, %get3A_149] : memref<512x4096xf32, #tpu.memory_space<vmem>>, vector<8x1024xf32>
      %get3A_151 = arith.index_cast %multiple_of3A_147 : i32 to index
      %get3A_152 = arith.constant 3072 : index
      %get3A_153 = vector.load %arg7[%get3A_151, %get3A_152] : memref<512x4096xf32, #tpu.memory_space<vmem>>, vector<8x1024xf32>
      %mul3A_154 = arith.constant 2.000000e+00 : f32
      %mul3A_155 = vector.broadcast %mul3A_154 : f32 to vector<8x1024xf32>
      %mul3A_156 = arith.mulf %mul3A_155, %get3A_153 : vector<8x1024xf32>
      %sub3A_157 = arith.subf %get3A_150, %mul3A_156 : vector<8x1024xf32>
      %lt3A_158 = arith.cmpf olt, %sub3A_157, %select_n3A_141 : vector<8x1024xf32>
      %mul3A_159 = arith.constant 8 : i32
      %mul3A_160 = arith.muli %scan3A_144, %mul3A_159 : i32
      %add3A_161 = arith.addi %mul3A_20, %mul3A_160 : i32
      %add3A_162 = vector.broadcast %add3A_161 : i32 to vector<8x1024xi32>
      %add3A_163 = arith.addi %iota3A_76, %add3A_162 : vector<8x1024xi32>
      %select_n3A_164 = arith.select %lt3A_158, %sub3A_157, %select_n3A_141 : vector<8x1024xi1>, vector<8x1024xf32>
      %select_n3A_165 = arith.select %lt3A_158, %add3A_163, %select_n3A_142 : vector<8x1024xi1>, vector<8x1024xi32>
      %scan3A_166 = arith.constant 3 : i32
      %scan3A_167 = arith.addi %scan3A_100, %scan3A_166 : i32
      %mul3A_168 = arith.constant 8 : i32
      %mul3A_169 = arith.muli %scan3A_167, %mul3A_168 : i32
      %multiple_of3A_170 = tpu.assume_multiple %mul3A_169, 8 : i32
      %get3A_171 = arith.index_cast %multiple_of3A_170 : i32 to index
      %get3A_172 = arith.constant 3072 : index
      %get3A_173 = vector.load %arg6[%get3A_171, %get3A_172] : memref<512x4096xf32, #tpu.memory_space<vmem>>, vector<8x1024xf32>
      %get3A_174 = arith.index_cast %multiple_of3A_170 : i32 to index
      %get3A_175 = arith.constant 3072 : index
      %get3A_176 = vector.load %arg7[%get3A_174, %get3A_175] : memref<512x4096xf32, #tpu.memory_space<vmem>>, vector<8x1024xf32>
      %mul3A_177 = arith.constant 2.000000e+00 : f32
      %mul3A_178 = vector.broadcast %mul3A_177 : f32 to vector<8x1024xf32>
      %mul3A_179 = arith.mulf %mul3A_178, %get3A_176 : vector<8x1024xf32>
      %sub3A_180 = arith.subf %get3A_173, %mul3A_179 : vector<8x1024xf32>
      %lt3A_181 = arith.cmpf olt, %sub3A_180, %select_n3A_164 : vector<8x1024xf32>
      %mul3A_182 = arith.constant 8 : i32
      %mul3A_183 = arith.muli %scan3A_167, %mul3A_182 : i32
      %add3A_184 = arith.addi %mul3A_20, %mul3A_183 : i32
      %add3A_185 = vector.broadcast %add3A_184 : i32 to vector<8x1024xi32>
      %add3A_186 = arith.addi %iota3A_76, %add3A_185 : vector<8x1024xi32>
      %select_n3A_187 = arith.select %lt3A_181, %sub3A_180, %select_n3A_164 : vector<8x1024xi1>, vector<8x1024xf32>
      %select_n3A_188 = arith.select %lt3A_181, %add3A_186, %select_n3A_165 : vector<8x1024xi1>, vector<8x1024xi32>
      %scan3A_189 = arith.constant 4 : i32
      %scan3A_190 = arith.addi %scan3A_100, %scan3A_189 : i32
      %mul3A_191 = arith.constant 8 : i32
      %mul3A_192 = arith.muli %scan3A_190, %mul3A_191 : i32
      %multiple_of3A_193 = tpu.assume_multiple %mul3A_192, 8 : i32
      %get3A_194 = arith.index_cast %multiple_of3A_193 : i32 to index
      %get3A_195 = arith.constant 3072 : index
      %get3A_196 = vector.load %arg6[%get3A_194, %get3A_195] : memref<512x4096xf32, #tpu.memory_space<vmem>>, vector<8x1024xf32>
      %get3A_197 = arith.index_cast %multiple_of3A_193 : i32 to index
      %get3A_198 = arith.constant 3072 : index
      %get3A_199 = vector.load %arg7[%get3A_197, %get3A_198] : memref<512x4096xf32, #tpu.memory_space<vmem>>, vector<8x1024xf32>
      %mul3A_200 = arith.constant 2.000000e+00 : f32
      %mul3A_201 = vector.broadcast %mul3A_200 : f32 to vector<8x1024xf32>
      %mul3A_202 = arith.mulf %mul3A_201, %get3A_199 : vector<8x1024xf32>
      %sub3A_203 = arith.subf %get3A_196, %mul3A_202 : vector<8x1024xf32>
      %lt3A_204 = arith.cmpf olt, %sub3A_203, %select_n3A_187 : vector<8x1024xf32>
      %mul3A_205 = arith.constant 8 : i32
      %mul3A_206 = arith.muli %scan3A_190, %mul3A_205 : i32
      %add3A_207 = arith.addi %mul3A_20, %mul3A_206 : i32
      %add3A_208 = vector.broadcast %add3A_207 : i32 to vector<8x1024xi32>
      %add3A_209 = arith.addi %iota3A_76, %add3A_208 : vector<8x1024xi32>
      %select_n3A_210 = arith.select %lt3A_204, %sub3A_203, %select_n3A_187 : vector<8x1024xi1>, vector<8x1024xf32>
      %select_n3A_211 = arith.select %lt3A_204, %add3A_209, %select_n3A_188 : vector<8x1024xi1>, vector<8x1024xi32>
      %scan3A_212 = arith.constant 5 : i32
      %scan3A_213 = arith.addi %scan3A_100, %scan3A_212 : i32
      %mul3A_214 = arith.constant 8 : i32
      %mul3A_215 = arith.muli %scan3A_213, %mul3A_214 : i32
      %multiple_of3A_216 = tpu.assume_multiple %mul3A_215, 8 : i32
      %get3A_217 = arith.index_cast %multiple_of3A_216 : i32 to index
      %get3A_218 = arith.constant 3072 : index
      %get3A_219 = vector.load %arg6[%get3A_217, %get3A_218] : memref<512x4096xf32, #tpu.memory_space<vmem>>, vector<8x1024xf32>
      %get3A_220 = arith.index_cast %multiple_of3A_216 : i32 to index
      %get3A_221 = arith.constant 3072 : index
      %get3A_222 = vector.load %arg7[%get3A_220, %get3A_221] : memref<512x4096xf32, #tpu.memory_space<vmem>>, vector<8x1024xf32>
      %mul3A_223 = arith.constant 2.000000e+00 : f32
      %mul3A_224 = vector.broadcast %mul3A_223 : f32 to vector<8x1024xf32>
      %mul3A_225 = arith.mulf %mul3A_224, %get3A_222 : vector<8x1024xf32>
      %sub3A_226 = arith.subf %get3A_219, %mul3A_225 : vector<8x1024xf32>
      %lt3A_227 = arith.cmpf olt, %sub3A_226, %select_n3A_210 : vector<8x1024xf32>
      %mul3A_228 = arith.constant 8 : i32
      %mul3A_229 = arith.muli %scan3A_213, %mul3A_228 : i32
      %add3A_230 = arith.addi %mul3A_20, %mul3A_229 : i32
      %add3A_231 = vector.broadcast %add3A_230 : i32 to vector<8x1024xi32>
      %add3A_232 = arith.addi %iota3A_76, %add3A_231 : vector<8x1024xi32>
      %select_n3A_233 = arith.select %lt3A_227, %sub3A_226, %select_n3A_210 : vector<8x1024xi1>, vector<8x1024xf32>
      %select_n3A_234 = arith.select %lt3A_227, %add3A_232, %select_n3A_211 : vector<8x1024xi1>, vector<8x1024xi32>
      %scan3A_235 = arith.constant 6 : i32
      %scan3A_236 = arith.addi %scan3A_100, %scan3A_235 : i32
      %mul3A_237 = arith.constant 8 : i32
      %mul3A_238 = arith.muli %scan3A_236, %mul3A_237 : i32
      %multiple_of3A_239 = tpu.assume_multiple %mul3A_238, 8 : i32
      %get3A_240 = arith.index_cast %multiple_of3A_239 : i32 to index
      %get3A_241 = arith.constant 3072 : index
      %get3A_242 = vector.load %arg6[%get3A_240, %get3A_241] : memref<512x4096xf32, #tpu.memory_space<vmem>>, vector<8x1024xf32>
      %get3A_243 = arith.index_cast %multiple_of3A_239 : i32 to index
      %get3A_244 = arith.constant 3072 : index
      %get3A_245 = vector.load %arg7[%get3A_243, %get3A_244] : memref<512x4096xf32, #tpu.memory_space<vmem>>, vector<8x1024xf32>
      %mul3A_246 = arith.constant 2.000000e+00 : f32
      %mul3A_247 = vector.broadcast %mul3A_246 : f32 to vector<8x1024xf32>
      %mul3A_248 = arith.mulf %mul3A_247, %get3A_245 : vector<8x1024xf32>
      %sub3A_249 = arith.subf %get3A_242, %mul3A_248 : vector<8x1024xf32>
      %lt3A_250 = arith.cmpf olt, %sub3A_249, %select_n3A_233 : vector<8x1024xf32>
      %mul3A_251 = arith.constant 8 : i32
      %mul3A_252 = arith.muli %scan3A_236, %mul3A_251 : i32
      %add3A_253 = arith.addi %mul3A_20, %mul3A_252 : i32
      %add3A_254 = vector.broadcast %add3A_253 : i32 to vector<8x1024xi32>
      %add3A_255 = arith.addi %iota3A_76, %add3A_254 : vector<8x1024xi32>
      %select_n3A_256 = arith.select %lt3A_250, %sub3A_249, %select_n3A_233 : vector<8x1024xi1>, vector<8x1024xf32>
      %select_n3A_257 = arith.select %lt3A_250, %add3A_255, %select_n3A_234 : vector<8x1024xi1>, vector<8x1024xi32>
      %scan3A_258 = arith.constant 7 : i32
      %scan3A_259 = arith.addi %scan3A_100, %scan3A_258 : i32
      %mul3A_260 = arith.constant 8 : i32
      %mul3A_261 = arith.muli %scan3A_259, %mul3A_260 : i32
      %multiple_of3A_262 = tpu.assume_multiple %mul3A_261, 8 : i32
      %get3A_263 = arith.index_cast %multiple_of3A_262 : i32 to index
      %get3A_264 = arith.constant 3072 : index
      %get3A_265 = vector.load %arg6[%get3A_263, %get3A_264] : memref<512x4096xf32, #tpu.memory_space<vmem>>, vector<8x1024xf32>
      %get3A_266 = arith.index_cast %multiple_of3A_262 : i32 to index
      %get3A_267 = arith.constant 3072 : index
      %get3A_268 = vector.load %arg7[%get3A_266, %get3A_267] : memref<512x4096xf32, #tpu.memory_space<vmem>>, vector<8x1024xf32>
      %mul3A_269 = arith.constant 2.000000e+00 : f32
      %mul3A_270 = vector.broadcast %mul3A_269 : f32 to vector<8x1024xf32>
      %mul3A_271 = arith.mulf %mul3A_270, %get3A_268 : vector<8x1024xf32>
      %sub3A_272 = arith.subf %get3A_265, %mul3A_271 : vector<8x1024xf32>
      %lt3A_273 = arith.cmpf olt, %sub3A_272, %select_n3A_256 : vector<8x1024xf32>
      %mul3A_274 = arith.constant 8 : i32
      %mul3A_275 = arith.muli %scan3A_259, %mul3A_274 : i32
      %add3A_276 = arith.addi %mul3A_20, %mul3A_275 : i32
      %add3A_277 = vector.broadcast %add3A_276 : i32 to vector<8x1024xi32>
      %add3A_278 = arith.addi %iota3A_76, %add3A_277 : vector<8x1024xi32>
      %select_n3A_279 = arith.select %lt3A_273, %sub3A_272, %select_n3A_256 : vector<8x1024xi1>, vector<8x1024xf32>
      %select_n3A_280 = arith.select %lt3A_273, %add3A_278, %select_n3A_257 : vector<8x1024xi1>, vector<8x1024xi32>
      scf.yield %select_n3A_279, %select_n3A_280 : vector<8x1024xf32>, vector<8x1024xi32>
    }
    %scan3A_88 = arith.constant 64 : i32
    %swap3A_89 = arith.constant 0 : index
    %swap3A_90 = arith.constant 3072 : index
    %swap3A_91 = vector.load %arg8[%swap3A_89, %swap3A_90] : memref<8x4096xf32, #tpu.memory_space<vmem>>, vector<8x1024xf32>
    tpu.vector_store %arg8[%swap3A_89, %swap3A_90], %scan3A_87#0 {strides = array<i32>} : memref<8x4096xf32, #tpu.memory_space<vmem>>, vector<8x1024xf32>,
    %swap3A_92 = arith.constant 0 : index
    %swap3A_93 = arith.constant 3072 : index
    %swap3A_94 = vector.load %arg9[%swap3A_92, %swap3A_93] : memref<8x4096xi32, #tpu.memory_space<vmem>>, vector<8x1024xi32>
    tpu.vector_store %arg9[%swap3A_92, %swap3A_93], %scan3A_87#1 {strides = array<i32>} : memref<8x4096xi32, #tpu.memory_space<vmem>>, vector<8x1024xi32>,
    %eq3A_95 = arith.constant 15 : i32
    %eq3A_96 = arith.cmpi eq, %arg0, %eq3A_95 : i32
    %convert_element_type3A_97 = arith.extui %eq3A_96 : i1 to i32
    %cond3A_98 = arith.constant 0 : i32
    %cond3A_99 = arith.cmpi ne, %convert_element_type3A_97, %cond3A_98 : i32
    scf.if %cond3A_99 {
      %get3A_100 = arith.constant 0 : index
      %get3A_101 = arith.constant 0 : index
      %get3A_102 = vector.load %arg8[%get3A_100, %get3A_101] : memref<8x4096xf32, #tpu.memory_space<vmem>>, vector<8x4096xf32>
      %get3A_103 = arith.constant 0 : index
      %get3A_104 = arith.constant 0 : index
      %get3A_105 = vector.load %arg9[%get3A_103, %get3A_104] : memref<8x4096xi32, #tpu.memory_space<vmem>>, vector<8x4096xi32>
      %slice3A = vector.extract_strided_slice %get3A_102 {offsets = [0, 0], sizes = [4, 4096], strides = [1, 1]} : vector<8x4096xf32> to vector<4x4096xf32>
      %slice3A_106 = vector.extract_strided_slice %get3A_102 {offsets = [4, 0], sizes = [4, 4096], strides = [1, 1]} : vector<8x4096xf32> to vector<4x4096xf32>
      %slice3A_107 = vector.extract_strided_slice %get3A_105 {offsets = [0, 0], sizes = [4, 4096], strides = [1, 1]} : vector<8x4096xi32> to vector<4x4096xi32>
      %slice3A_108 = vector.extract_strided_slice %get3A_105 {offsets = [4, 0], sizes = [4, 4096], strides = [1, 1]} : vector<8x4096xi32> to vector<4x4096xi32>
      %lt3A = arith.cmpf olt, %slice3A_106, %slice3A : vector<4x4096xf32>
      %eq3A_109 = arith.cmpf oeq, %slice3A_106, %slice3A : vector<4x4096xf32>
      %lt3A_110 = arith.cmpi slt, %slice3A_108, %slice3A_107 : vector<4x4096xi32>
      %and3A = arith.andi %eq3A_109, %lt3A_110 : vector<4x4096xi1>
      %or3A = arith.ori %lt3A, %and3A : vector<4x4096xi1>
      %select_n3A = arith.select %or3A, %slice3A_106, %slice3A : vector<4x4096xi1>, vector<4x4096xf32>
      %select_n3A_111 = arith.select %or3A, %slice3A_108, %slice3A_107 : vector<4x4096xi1>, vector<4x4096xi32>
      %slice3A_112 = vector.extract_strided_slice %select_n3A {offsets = [0, 0], sizes = [2, 4096], strides = [1, 1]} : vector<4x4096xf32> to vector<2x4096xf32>
      %slice3A_113 = vector.extract_strided_slice %select_n3A {offsets = [2, 0], sizes = [2, 4096], strides = [1, 1]} : vector<4x4096xf32> to vector<2x4096xf32>
      %slice3A_114 = vector.extract_strided_slice %select_n3A_111 {offsets = [0, 0], sizes = [2, 4096], strides = [1, 1]} : vector<4x4096xi32> to vector<2x4096xi32>
      %slice3A_115 = vector.extract_strided_slice %select_n3A_111 {offsets = [2, 0], sizes = [2, 4096], strides = [1, 1]} : vector<4x4096xi32> to vector<2x4096xi32>
      %lt3A_116 = arith.cmpf olt, %slice3A_113, %slice3A_112 : vector<2x4096xf32>
      %eq3A_117 = arith.cmpf oeq, %slice3A_113, %slice3A_112 : vector<2x4096xf32>
      %lt3A_118 = arith.cmpi slt, %slice3A_115, %slice3A_114 : vector<2x4096xi32>
      %and3A_119 = arith.andi %eq3A_117, %lt3A_118 : vector<2x4096xi1>
      %or3A_120 = arith.ori %lt3A_116, %and3A_119 : vector<2x4096xi1>
      %select_n3A_121 = arith.select %or3A_120, %slice3A_113, %slice3A_112 : vector<2x4096xi1>, vector<2x4096xf32>
      %select_n3A_122 = arith.select %or3A_120, %slice3A_115, %slice3A_114 : vector<2x4096xi1>, vector<2x4096xi32>
      %slice3A_123 = vector.extract_strided_slice %select_n3A_121 {offsets = [0, 0], sizes = [1, 4096], strides = [1, 1]} : vector<2x4096xf32> to vector<1x4096xf32>
      %slice3A_124 = vector.extract_strided_slice %select_n3A_121 {offsets = [1, 0], sizes = [1, 4096], strides = [1, 1]} : vector<2x4096xf32> to vector<1x4096xf32>
      %slice3A_125 = vector.extract_strided_slice %select_n3A_122 {offsets = [0, 0], sizes = [1, 4096], strides = [1, 1]} : vector<2x4096xi32> to vector<1x4096xi32>
      %slice3A_126 = vector.extract_strided_slice %select_n3A_122 {offsets = [1, 0], sizes = [1, 4096], strides = [1, 1]} : vector<2x4096xi32> to vector<1x4096xi32>
      %lt3A_127 = arith.cmpf olt, %slice3A_124, %slice3A_123 : vector<1x4096xf32>
      %eq3A_128 = arith.cmpf oeq, %slice3A_124, %slice3A_123 : vector<1x4096xf32>
      %lt3A_129 = arith.cmpi slt, %slice3A_126, %slice3A_125 : vector<1x4096xi32>
      %and3A_130 = arith.andi %eq3A_128, %lt3A_129 : vector<1x4096xi1>
      %or3A_131 = arith.ori %lt3A_127, %and3A_130 : vector<1x4096xi1>
      %select_n3A_132 = arith.select %or3A_131, %slice3A_124, %slice3A_123 : vector<1x4096xi1>, vector<1x4096xf32>
      %select_n3A_133 = arith.select %or3A_131, %slice3A_126, %slice3A_125 : vector<1x4096xi1>, vector<1x4096xi32>
      %swap3A_134 = arith.constant 0 : index
      %swap3A_135 = arith.constant 0 : index
      %swap3A_136 = vector.load %arg3[%swap3A_134, %swap3A_135] : memref<1x4096xi32, #tpu.memory_space<vmem>>, vector<1x4096xi32>
      tpu.vector_store %arg3[%swap3A_134, %swap3A_135], %select_n3A_133 {strides = array<i32>} : memref<1x4096xi32, #tpu.memory_space<vmem>>, vector<1x4096xi32>,
      %reduce_sum3A_137 = vector.shape_cast %select_n3A_132 : vector<1x4096xf32> to vector<1x1x4096xf32>
      %reduce_sum3A_138 = arith.constant dense<0.000000e+00> : vector<1xf32>
      %reduce_sum3A_139 = vector.multi_reduction <add>, %reduce_sum3A_137, %reduce_sum3A_138 [1, 2] : vector<1x1x4096xf32> to vector<1xf32>
      %reduce_sum3A_140 = vector.shape_cast %reduce_sum3A_139 : vector<1xf32> to vector<1x1x1xf32>
      %reduce_sum3A_141 = vector.extract %reduce_sum3A_140[0, 0, 0] : f32 from vector<1x1x1xf32>
      %reshape3A = vector.broadcast %reduce_sum3A_141 : f32 to vector<1x1xf32>
      %swap3A_142 = arith.constant 0 : index
      %swap3A_143 = arith.constant 0 : index
      %swap3A_144 = vector.load %arg4[%swap3A_142, %swap3A_143] : memref<1x1xf32, #tpu.memory_space<vmem>>, vector<1x1xf32>
      tpu.vector_store %arg4[%swap3A_142, %swap3A_143], %reshape3A {strides = array<i32>} : memref<1x1xf32, #tpu.memory_space<vmem>>, vector<1x1xf32>,
    } else {
    }
    return
  }
  func.func @transform_0(%arg0: i32) -> (i32, i32) {
    %c0_i32 = arith.constant 0 : i32
    %c0_i32_0 = arith.constant 0 : i32
    %c0_i32_1 = arith.constant 0 : i32
    return %c0_i32, %c0_i32_0 : i32, i32
  }
  func.func @transform_1(%arg0: i32) -> (i32, i32) {
    %c0_i32 = arith.constant 0 : i32
    %c0_i32_0 = arith.constant 0 : i32
    return %arg0, %c0_i32 : i32, i32
  }
  func.func @transform_2(%arg0: i32) -> (i32, i32) {
    %c0_i32 = arith.constant 0 : i32
    %c0_i32_0 = arith.constant 0 : i32
    %c0_i32_1 = arith.constant 0 : i32
    return %c0_i32, %c0_i32_0 : i32, i32
  }
  func.func @transform_3(%arg0: i32) -> (i32, i32) {
    %c0_i32 = arith.constant 0 : i32
    %c0_i32_0 = arith.constant 0 : i32
    %c0_i32_1 = arith.constant 0 : i32
    return %c0_i32, %c0_i32_0 : i32, i32
  }
}

</mosaic_0001>

<sc_bundles>
// kernel: kernel.4.cloned.1.call-start
scs
__scs_entry_jumppad:
0x0: {  	(pc) =	sbr.rel $0x88, $3  }
0x1: {  	(tag) =	ssettag $0x0;
	lr =	simm.s32 $0x1  }
0x2: {  	[smem:$0x3F9F] =	sst lr;
	_ =	strace $0xD0000000  }
0x3: {  	_ = 	snop  }
0x4: {  	_ = 	snop  }
0x5: {  	_ = 	snop  }
0x6: {  	_ = 	snop  }
0x7: {  	_ = 	snop  }
__scs_overlays_trampoline_lowered:
0x8: {  	[smem:$0x3FAE] =	sst s0  }
0x9: {  	[smem:$0x3FAF] =	sst s1  }
0xa: {  	[smem:$0x3FB0] =	sst s2  }
0xb: {  	[smem:$0x3FB1] =	sst s3  }
0xc: {  	[smem:$0x3FB2] =	sst s4  }
0xd: {  	[smem:$0x3FB3] =	sst s5  }
0xe: {  	[smem:$0x3FB4] =	sst s6  }
0xf: {  	[smem:$0x3FB5] =	sst s7  }
0x10: {  	[smem:$0x3FB6] =	sst s8  }
0x11: {  	[smem:$0x3FB7] =	sst s9;
	s0 =	simm.s32 @!p0 $0x0  }
0x12: {  	s1 =	sld [smem:$0x3F9D];
	s0 =	simm.s32 @p0 $0x1  }
0x13: {  	[smem:$0x3FB8] =	sst s0;
	s0 =	simm.s32 @!p1 $0x0  }
0x14: {  	s2 =	sld [smem:$0x3F9C];
	s0 =	simm.s32 @p1 $0x1  }
0x15: {  	[smem:$0x3FB9] =	sst s0;
	s0 =	simm.s32 @!p2 $0x0  }
0x16: {  	s3 =	sld [smem:$0x3FDB];
	s0 =	simm.s32 @p2 $0x1  }
0x17: {  	s4 =	simm.s32 $0x1BF5;
	[smem:$0x3FBB] =	sst s0  }
0x18: {  	s0 =	sld [smem:$0x3F9E];
	_ =	swait.ge [sflag:s4], $0x0  }
0x19: {  	s7 =	sld [smem:$0x3F9F]  }
0x1a: {  	s8 =	sadd.s32 $0xFFFFE003, lr  }
0x1b: {  	s9 =	sadd.s32 $0xFFFFFEF7, lr;
	s5 =	simm.s32 $0xFFFFFFFF;
	p2 =	slt.u32 s8, $0xFFFFF086  }
0x1c: {  	p1 =	slt.u32 s9, $0xF7A;
	s5 =	simm.s32 @!p2 $0x0  }
0x1d: {  	s5 =	simm.s32 @p1 $0x1;
	p0 =	seq.s32 s7, s2  }
0x1e: {  	s7 =	smul.u32 @!p0 $0xF7A, s2;
	p2 =	seq.s32 @!p0 s5, $0x0  }
0x1f: {  	s9 =	smul.u32 $0xF7A, s1;
	s8 =	simm.s32 @!p0 $0x1BF5;
	p2 =	por !p2, p0  }
0x20: {  	[sflag:s8] =	ssyncset.s32 @!p0 $0xFFFFF086;
	s6 =	sadd.s32 @!p0 s3, s7;
	s7 =	simm.s32 @!p0 $0x108  }
0x21: {  	s3 =	sadd.s32 s3, s9;
	s6 =	sadd.s32 @!p0 $0x88, s6;
	s7 =	simm.s32 @p2 $0x1082  }
0x22: {  	[simem:s7], [sflag:s8] =	dma.local @!p0 [hbm:s6], $0xF7A  }
0x23: {  	s9 =	sor.u32 $0xD0000000, s2;
	s6 =	simm.s32 $0x108;
	_ =	swait.ge @!p0 [sflag:s8], $0x0  }
0x24: {  	s3 =	sadd.s32 $0x88, s3;
	s6 =	simm.s32 @!p1 $0x1082;
	[sflag:s4] =	ssyncset.s32 $0xFFFFF086  }
0x25: {  	[simem:s6], [sflag:s4] =	dma.local [hbm:s3], $0xF7A  }
0x26: {  	[smem:$0x3F9F] =	sst s1;
	(tag) =	ssettag s2;
	_ =	strace s9  }
0x27: {  	s1 =	sld [smem:$0x3FAF]  }
0x28: {  	s2 =	sld [smem:$0x3FB0]  }
0x29: {  	s4 =	sld [smem:$0x3FB2]  }
0x2a: {  	p0 =	seq.s32 s5, $0x0;
	s5 =	sld [smem:$0x3FB3]  }
0x2b: {  	s6 =	sld [smem:$0x3FB4]  }
0x2c: {  	s7 =	sld [smem:$0x3FB5]  }
0x2d: {  	s3 =	simm.s32 $0x108;
	s8 =	sld [smem:$0x3FB6]  }
0x2e: {  	s3 =	simm.s32 @!p0 $0x1082;
	s9 =	sld [smem:$0x3FB7]  }
0x2f: {  	lr =	sadd.s32 s0, s3;
	s0 =	sld [smem:$0x3FAE]  }
0x30: {  	s3 =	sld [smem:$0x3FB1]  }
0x31: {  	[smem:$0x3FBA] =	sst s10  }
0x32: {  	s10 =	sld [smem:$0x3FB8];
	_ =	sdelay $0x3  }
0x33: {  	p0 =	seq.s32 s10, $0x1;
	s10 =	sld [smem:$0x3FBA];
	_ =	sdelay $0x3  }
0x34: {  	[smem:$0x3FBA] =	sst s10  }
0x35: {  	s10 =	sld [smem:$0x3FB9];
	_ =	sdelay $0x3  }
0x36: {  	p1 =	seq.s32 s10, $0x1;
	s10 =	sld [smem:$0x3FBA];
	_ =	sdelay $0x3  }
0x37: {  	[smem:$0x3FBA] =	sst s10  }
0x38: {  	s10 =	sld [smem:$0x3FBB]  }
0x39: {  	_ = 	snop;
	(pc) =	sbr.ind lr, $3  }
0x3a: {  	_ = 	snop  }
0x3b: {  	_ = 	snop  }
0x3c: {  	p2 =	seq.s32 s10, $0x1;
	s10 =	sld [smem:$0x3FBA]  }
0x3d: {  	_ =	shalt  }
0x3e: {  	_ =	shalt  }
0x3f: {  	_ =	shalt  }
0x40: {  	_ =	shalt  }
0x41: {  	_ =	shalt  }
0x42: {  	_ =	shalt  }
0x43: {  	_ =	shalt  }
0x44: {  	_ =	shalt  }
0x45: {  	_ =	shalt  }
0x46: {  	_ =	shalt  }
0x47: {  	_ =	shalt  }
0x48: {  	_ =	shalt  }
0x49: {  	_ =	shalt  }
0x4a: {  	_ =	shalt  }
0x4b: {  	_ =	shalt  }
0x4c: {  	_ =	shalt  }
0x4d: {  	_ =	shalt  }
0x4e: {  	_ =	shalt  }
0x4f: {  	_ =	shalt  }
0x50: {  	_ =	shalt  }
0x51: {  	_ =	shalt  }
0x52: {  	_ =	shalt  }
0x53: {  	_ =	shalt  }
0x54: {  	_ =	shalt  }
0x55: {  	_ =	shalt  }
0x56: {  	_ =	shalt  }
0x57: {  	_ =	shalt  }
0x58: {  	_ =	shalt  }
0x59: {  	_ =	shalt  }
0x5a: {  	_ =	shalt  }
0x5b: {  	_ =	shalt  }
0x5c: {  	_ =	shalt  }
0x5d: {  	_ =	shalt  }
0x5e: {  	_ =	shalt  }
0x5f: {  	_ =	shalt  }
0x60: {  	_ =	shalt  }
0x61: {  	_ =	shalt  }
0x62: {  	_ =	shalt  }
0x63: {  	_ =	shalt  }
0x64: {  	_ =	shalt  }
0x65: {  	_ =	shalt  }
0x66: {  	_ =	shalt  }
0x67: {  	_ =	shalt  }
0x68: {  	_ =	shalt  }
0x69: {  	_ =	shalt  }
0x6a: {  	_ =	shalt  }
0x6b: {  	_ =	shalt  }
0x6c: {  	_ =	shalt  }
0x6d: {  	_ =	shalt  }
0x6e: {  	_ =	shalt  }
0x6f: {  	_ =	shalt  }
0x70: {  	_ =	shalt  }
0x71: {  	_ =	shalt  }
0x72: {  	_ =	shalt  }
0x73: {  	_ =	shalt  }
0x74: {  	_ =	shalt  }
0x75: {  	_ =	shalt  }
0x76: {  	_ =	shalt  }
0x77: {  	_ =	shalt  }
0x78: {  	_ =	shalt  }
0x79: {  	_ =	shalt  }
0x7a: {  	_ =	shalt  }
0x7b: {  	_ =	shalt  }
0x7c: {  	_ =	shalt  }
0x7d: {  	_ =	shalt  }
0x7e: {  	_ =	shalt  }
0x7f: {  	_ =	shalt  }
0x80: {  	_ =	shalt  }
0x81: {  	_ =	shalt  }
0x82: {  	_ =	shalt  }
0x83: {  	_ =	shalt  }
0x84: {  	_ =	shalt  }
0x85: {  	_ =	shalt  }
0x86: {  	_ =	shalt  }
0x87: {  	_ =	shalt  }
.Lfunc_end0:
.L_simem_size_0:
called_computation_lowered:
.L_overlay_start_0:
0x88: {  	s2 =	sld [smem:$0x3FD9]  }
0x89: {  	s3 =	sld [smem:$0x3FFE];
	_ =	sdelay $0x1  }
0x8a: {  	s1 =	srdreg.scid  }
0x8b: {  	s0 =	sand.u32 $0x1, s1  }
0x8c: {  	s14 =	sshll.u32 s0, $0xA;
	s2 =	sadd.s32 s3, s2  }
0x8d: {  	s2 =	sadd.s32 s2, s14  }
0x8e: {  	[smem:$0x3FC6] =	sst s2  }
0x8f: {  	_ = 	snop  }
0x90: {  	s2 =	sld [smem:$0x3FD0];
	_ =	sdelay $0x2  }
0x91: {  	s4 =	simm.s32 $0xA;
	s5 =	simm.s32 $0x10;
	s15 =	sld [smem:$0x3FC8]  }
0x92: {  	[smem:s5], [sflag:s4] =	dma.local [hbm:s2], $0x1  }
0x93: {  	_ =	swait.eq [sflag:s4], $0x1  }
0x94: {  	[sflag:s4] =	ssyncset.done $0x0  }
0x95: {  	[sflag:s4] =	ssyncadd.s32 $0xFFFFFFFF  }
0x96: {  	s16 =	sld [smem:$0x10];
	(tm) =	ssettm $0x1  }
0x97: {  	s17 =	sld [smem:$0x3FFB];
	_ =	sdelay $0x3  }
0x98: {  	_ =	strace s17  }
0x99: {  	s4 =	sld [smem:$0x3FFC];
	_ =	sdelay $0x3  }
0x9a: {  	_ =	strace s4  }
0x9b: {  	s4 =	sld [smem:$0x3FFD];
	_ =	sdelay $0x3  }
0x9c: {  	_ =	strace s4  }
0x9d: {  	_ =	strace $0x8FFFFFFF  }
0x9e: {  	s18 =	sld [smem:$0x3FDB];
	_ =	sdelay $0x1  }
0x9f: {  	s19 =	simm.s32 $_scs_section_size  }
0xa0: {  	s6 =	simm.s32 $_size__tile_overlayer_lowered;
	s7 =	simm.s32 $_tile_overlayer_lowered  }
0xa1: {  	s22 =	simm.s32 $0x1BFF;
	s21 =	sshll.u32 s7, $0x1;
	s4 =	sadd.s32 s19, s18  }
0xa2: {  	s8 =	simm.s32 $0x0;
	s20 =	sshll.u32 s6, $0x1;
	s6 =	sadd.s32 s21, s4  }
0xa3: {  	[timem:s8], [sflag:s22] =	dma.local [hbm:s6], s20  }
0xa4: {  	_ =	swait.ge [sflag:s22], s20  }
0xa5: {  	s5 =	ssub.s32 $0x0, s20;
	[sflag:s22] =	ssyncset.done $0x0  }
0xa6: {  	[sflag:s22] =	ssyncadd.s32 s5;
	_ =	sdelay $0x1  }
0xa7: {  	s23 =	simm.s32 $0x1B8B  }
0xa8: {  	_ =	swait.ge [sflag:s23], $0x1  }
0xa9: {  	[sflag:s23] =	ssyncset.done $0x0  }
0xaa: {  	s25 =	simm.s32 $0x1B8E;
	s24 =	sld [smem:$0x3FFE];
	[sflag:s23] =	ssyncadd.s32 $0xFFFFFFFF  }
0xab: {  	s26 =	simm.s32 $execute0_lowered;
	[smem:$0x3FD2] =	sst s25  }
0xac: {  	s6 =	sshll.u32 s26, $0x1;
	_ =	strace $0x80000046;
	[dreg:$0x1] =	wrdreg $0xFFFFFFFF  }
0xad: {  	s28 =	simm.s32 $_size_execute0_lowered;
	s4 =	sadd.s32 s4, s6;
	[dreg:$0x0] =	wrdreg $0x0  }
0xae: {  	s6 =	sshll.u32 s28, $0x1;
	[dreg:$0x2] =	wrdreg s4  }
0xaf: {  	[dreg:$0x3] =	wrdreg s6  }
0xb0: {  	[dreg:$0x4] =	wrdreg $0xC0  }
0xb1: {  	_ =	task [dreg:s8], $0x5FFFF  }
0xb2: {  	[dreg:$0x1] =	wrdreg $0xFFFFFFFF  }
0xb3: {  	[dreg:$0x0] =	wrdreg $0x60  }
0xb4: {  	[dreg:$0x2] =	wrdreg s15  }
0xb5: {  	[dreg:$0x3] =	wrdreg s24  }
0xb6: {  	[dreg:$0x4] =	wrdreg s16  }
0xb7: {  	[dreg:$0x5] =	wrdreg $0x9  }
0xb8: {  	_ =	task.clear_ibuf [dreg:s8], $0x6FFFF;
	_ =	strace $0x90000046  }
0xb9: {  	s29 =	simm.s32 $0x9;
	_ =	strace $0x80000048  }
0xba: {  	_ =	swait.ge [sflag:s29], $0x1  }
0xbb: {  	[sflag:s29] =	ssyncadd.s32 $0xFFFFFFFF  }
0xbc: {  	_ =	strace $0x90000048  }
0xbd: {  	_ =	sfence  }
0xbe: {  	s30 =	sld [smem:$0x0];
	_ =	sdelay $0x2  }
0xbf: {  	s31 =	sshll.u32 s1, $0xD;
	s1 =	sshrl.u32 s1, $0x2  }
0xc0: {  	s3 =	sand.u32 $0x4000, s31;
	s1 =	sadd.s32 s1, s30  }
0xc1: {  	s0 =	sor.u32 s3, s0;
	s1 =	sshll.u32 s1, $0x11  }
0xc2: {  	s0 =	sor.u32 s1, s0  }
0xc3: {  	s0 =	sadd.s32 $0x8F2B, s0  }
0xc4: {  	[sflag:s0] =	ssyncadd.remote.s32 $0x1  }
0xc5: {  	_ =	sfence.sel $0xFFFF  }
0xc6: {  	[dreg:$0x0] =	wrdreg $0xFFFFFFFF;
	(pc) =	sbr.abs _section_cstart, $3  }
0xc7: {  	[dreg:$0x1] =	wrdreg $0xFFFFFFFF  }
0xc8: {  	_ =	task.clear_ibuf [dreg:s8], $0x2FFFF;
	_ =	strace $0x9FFFFFFF  }
0xc9: {  	(tm) =	ssettm $0x7FFFFFFF  }
tec
execute0_lowered:
.L_overlay_start_1:
0x0: {  	(tag) =	ssettag $0x1  }
0x1: {  	s1 =	rddreg [dreg:$0x0]  }
0x2: {  	s4 =	rddreg [dreg:$0x1]  }
0x3: {  	s5 =	rddreg [dreg:$0x2];
	s3 =	srdreg.scid  }
0x4: {  	s0 =	rddreg [dreg:$0x3];
	s2 =	stileid.u32;
	s10 =	simm.s32 $0x1080  }
0x5: {  	s11 =	simm.s32 $0x1880;
	s12 =	simm.s32 $0x2080;
	s13 =	simm.s32 $0x2880  }
0x6: {  	s14 =	simm.s32 $0x3080;
	s15 =	simm.s32 $0x3880;
	s16 =	simm.s32 $0x4080  }
0x7: {  	s17 =	simm.s32 $0x4880;
	s18 =	simm.s32 $0x5080;
	s19 =	simm.s32 $0x5880  }
0x8: {  	s20 =	simm.s32 $0x6080;
	s21 =	simm.s32 $0x6880;
	s22 =	simm.s32 $0x7080  }
0x9: {  	s23 =	simm.s32 $0x7880;
	s24 =	simm.s32 $0x1;
	s6 =	sand.u32 $0x1, s3  }
0xa: {  	s3 =	simm.s32 $0x0;
	s7 =	sshll.u32 s2, $0x8;
	s8 =	sshll.u32 s6, $0x7  }
0xb: {  	[smem:$0x7FF] =	sst s3;
	s6 =	ssub.s32 $0x2, s6;
	s7 =	sor.u32 s8, s7  }
0xc: {  	_ =	strace $0x80000047;
	s9 =	sshrl.u32 s6, $0x1;
	s8 =	sshrl.u32 s7, $0x3  }
0xd: {  	v2 =	vlaneseq.u32;
	s6 =	ssub.s32 s6, s9;
	s7 =	sshll.u32 s7, $0x5;
	s9 =	simm.s32 $0x880  }
0xe: {  	vm0 =	vmmov $0xffff;
	v1 =	vshrl.u32 v2, $0x3;
	s4 =	sadd.s32 s8, s4;
	s5 =	sadd.s32 s5, s7;
	s6 =	smax.u32 s6, $0x1  }
0xf: {  	v0 =	vand.u32 $0x7, v2;
	v2 =	vor.u32 $0x8, v2;
	v1 =	vmul.u32 $0x8, v1;
	s7 =	simm.s32 $0x2;
	s8 =	simm.s32 $0x80;
	s4 =	sadd.s32 $0xC00, s4  }
.LBB2_1:
0x10: {  	[tilespmem:s3], [sflag:$0x2] =	stream.linear.gather [hbm4b:s4+s3], $0x80, $0x38;
	[tilespmem:$0x8080] =	vst v63  }
0x11: {  	_ =	swait.ge [sflag:s7], $0x80  }
0x12: {  	[sflag:s7] =	ssyncset.done $0x0  }
0x13: {  	[sflag:s7] =	ssyncadd.s32 $0xFFFFFF80  }
0x14: {  	v3 =	vld [tilespmem:$0x0];
	_ =	sdelay $0x4  }
0x15: {  	v4 =	vshll.u32 v3, $0x1  }
0x16: {  	v3 =	vand.u32 $0x7, v3;
	v4 =	vand.u32 $0xFFFFFFF0, v4  }
0x17: {  	v3 =	vor.u32 v3, v4  }
0x18: {  	v4 =	vperm.xlane v3, v0;
	_ =	sdelay $0x1  }
0x19: {  	v3 =	vperm.xlane v3, v2;
	v4 =	vadd.s32 v1, v4;
	_ =	sdelay $0x1  }
0x1a: {  	v3 =	vadd.s32 v1, v3;
	_ =	sdelay $0x2  }
0x1b: {  	[tilespmem:s8], [sflag:$0x1] =	stream.indirect_vreg.gather [hbm4b:s1+s3], $0x80, v4, vm0, $0xb8;
	[tilespmem:$0x8080] =	vst v63  }
0x1c: {  	_ = 	snop  }
0x1d: {  	[tilespmem:s9], [sflag:$0x1] =	stream.indirect_vreg.gather [hbm4b:s1+s3], $0x80, v3, vm0, $0xb8;
	[tilespmem:$0x8080] =	vst v63  }
0x1e: {  	v3 =	vld [tilespmem:$0x10];
	_ =	sdelay $0x4  }
0x1f: {  	v57 =	vshll.u32 v3, $0x1  }
0x20: {  	v3 =	vand.u32 $0x7, v3;
	v4 =	vand.u32 $0xFFFFFFF0, v57  }
0x21: {  	v3 =	vor.u32 v3, v4  }
0x22: {  	v4 =	vperm.xlane v3, v0;
	_ =	sdelay $0x1  }
0x23: {  	v3 =	vperm.xlane v3, v2;
	v4 =	vadd.s32 v1, v4;
	_ =	sdelay $0x1  }
0x24: {  	v3 =	vadd.s32 v1, v3;
	_ =	sdelay $0x2  }
0x25: {  	[tilespmem:s10], [sflag:$0x1] =	stream.indirect_vreg.gather [hbm4b:s1+s3], $0x80, v4, vm0, $0xb8;
	[tilespmem:$0x8080] =	vst v63  }
0x26: {  	_ = 	snop  }
0x27: {  	[tilespmem:s11], [sflag:$0x1] =	stream.indirect_vreg.gather [hbm4b:s1+s3], $0x80, v3, vm0, $0xb8;
	[tilespmem:$0x8080] =	vst v63  }
0x28: {  	v3 =	vld [tilespmem:$0x20];
	_ =	sdelay $0x4  }
0x29: {  	v58 =	vshll.u32 v3, $0x1  }
0x2a: {  	v3 =	vand.u32 $0x7, v3;
	v4 =	vand.u32 $0xFFFFFFF0, v58  }
0x2b: {  	v3 =	vor.u32 v3, v4  }
0x2c: {  	v4 =	vperm.xlane v3, v0;
	_ =	sdelay $0x1  }
0x2d: {  	v3 =	vperm.xlane v3, v2;
	v4 =	vadd.s32 v1, v4;
	_ =	sdelay $0x1  }
0x2e: {  	v3 =	vadd.s32 v1, v3;
	_ =	sdelay $0x2  }
0x2f: {  	[tilespmem:s12], [sflag:$0x1] =	stream.indirect_vreg.gather [hbm4b:s1+s3], $0x80, v4, vm0, $0xb8;
	[tilespmem:$0x8080] =	vst v63  }
0x30: {  	_ = 	snop  }
0x31: {  	[tilespmem:s13], [sflag:$0x1] =	stream.indirect_vreg.gather [hbm4b:s1+s3], $0x80, v3, vm0, $0xb8;
	[tilespmem:$0x8080] =	vst v63  }
0x32: {  	v3 =	vld [tilespmem:$0x30];
	_ =	sdelay $0x4  }
0x33: {  	v59 =	vshll.u32 v3, $0x1  }
0x34: {  	v3 =	vand.u32 $0x7, v3;
	v4 =	vand.u32 $0xFFFFFFF0, v59  }
0x35: {  	v3 =	vor.u32 v3, v4  }
0x36: {  	v4 =	vperm.xlane v3, v0;
	_ =	sdelay $0x1  }
0x37: {  	v3 =	vperm.xlane v3, v2;
	v4 =	vadd.s32 v1, v4;
	_ =	sdelay $0x1  }
0x38: {  	v3 =	vadd.s32 v1, v3;
	_ =	sdelay $0x2  }
0x39: {  	[tilespmem:s14], [sflag:$0x1] =	stream.indirect_vreg.gather [hbm4b:s1+s3], $0x80, v4, vm0, $0xb8;
	[tilespmem:$0x8080] =	vst v63  }
0x3a: {  	_ = 	snop  }
0x3b: {  	[tilespmem:s15], [sflag:$0x1] =	stream.indirect_vreg.gather [hbm4b:s1+s3], $0x80, v3, vm0, $0xb8;
	[tilespmem:$0x8080] =	vst v63  }
0x3c: {  	v3 =	vld [tilespmem:$0x40];
	_ =	sdelay $0x4  }
0x3d: {  	v60 =	vshll.u32 v3, $0x1  }
0x3e: {  	v3 =	vand.u32 $0x7, v3;
	v4 =	vand.u32 $0xFFFFFFF0, v60  }
0x3f: {  	v3 =	vor.u32 v3, v4  }
0x40: {  	v4 =	vperm.xlane v3, v0;
	_ =	sdelay $0x1  }
0x41: {  	v3 =	vperm.xlane v3, v2;
	v4 =	vadd.s32 v1, v4;
	_ =	sdelay $0x1  }
0x42: {  	v3 =	vadd.s32 v1, v3;
	_ =	sdelay $0x2  }
0x43: {  	[tilespmem:s16], [sflag:$0x1] =	stream.indirect_vreg.gather [hbm4b:s1+s3], $0x80, v4, vm0, $0xb8;
	[tilespmem:$0x8080] =	vst v63  }
0x44: {  	_ = 	snop  }
0x45: {  	[tilespmem:s17], [sflag:$0x1] =	stream.indirect_vreg.gather [hbm4b:s1+s3], $0x80, v3, vm0, $0xb8;
	[tilespmem:$0x8080] =	vst v63  }
0x46: {  	v3 =	vld [tilespmem:$0x50];
	_ =	sdelay $0x4  }
0x47: {  	v61 =	vshll.u32 v3, $0x1  }
0x48: {  	v3 =	vand.u32 $0x7, v3;
	v4 =	vand.u32 $0xFFFFFFF0, v61  }
0x49: {  	v3 =	vor.u32 v3, v4  }
0x4a: {  	v4 =	vperm.xlane v3, v0;
	_ =	sdelay $0x1  }
0x4b: {  	v3 =	vperm.xlane v3, v2;
	v4 =	vadd.s32 v1, v4;
	_ =	sdelay $0x1  }
0x4c: {  	v3 =	vadd.s32 v1, v3;
	_ =	sdelay $0x2  }
0x4d: {  	[tilespmem:s18], [sflag:$0x1] =	stream.indirect_vreg.gather [hbm4b:s1+s3], $0x80, v4, vm0, $0xb8;
	[tilespmem:$0x8080] =	vst v63  }
0x4e: {  	_ = 	snop  }
0x4f: {  	[tilespmem:s19], [sflag:$0x1] =	stream.indirect_vreg.gather [hbm4b:s1+s3], $0x80, v3, vm0, $0xb8;
	[tilespmem:$0x8080] =	vst v63  }
0x50: {  	v3 =	vld [tilespmem:$0x60];
	_ =	sdelay $0x4  }
0x51: {  	v62 =	vshll.u32 v3, $0x1  }
0x52: {  	v3 =	vand.u32 $0x7, v3;
	v4 =	vand.u32 $0xFFFFFFF0, v62  }
0x53: {  	v3 =	vor.u32 v3, v4  }
0x54: {  	v4 =	vperm.xlane v3, v0;
	_ =	sdelay $0x1  }
0x55: {  	v3 =	vperm.xlane v3, v2;
	v4 =	vadd.s32 v1, v4;
	_ =	sdelay $0x1  }
0x56: {  	v3 =	vadd.s32 v1, v3;
	_ =	sdelay $0x2  }
0x57: {  	[tilespmem:s20], [sflag:$0x1] =	stream.indirect_vreg.gather [hbm4b:s1+s3], $0x80, v4, vm0, $0xb8;
	[tilespmem:$0x8080] =	vst v63  }
0x58: {  	_ = 	snop  }
0x59: {  	[tilespmem:s21], [sflag:$0x1] =	stream.indirect_vreg.gather [hbm4b:s1+s3], $0x80, v3, vm0, $0xb8;
	[tilespmem:$0x8080] =	vst v63  }
0x5a: {  	v3 =	vld [tilespmem:$0x70];
	_ =	sdelay $0x4  }
0x5b: {  	v63 =	vshll.u32 v3, $0x1  }
0x5c: {  	v3 =	vand.u32 $0x7, v3;
	v4 =	vand.u32 $0xFFFFFFF0, v63  }
0x5d: {  	v3 =	vor.u32 v3, v4  }
0x5e: {  	v4 =	vperm.xlane v3, v0;
	_ =	sdelay $0x1  }
0x5f: {  	v3 =	vperm.xlane v3, v2;
	v4 =	vadd.s32 v1, v4;
	_ =	sdelay $0x1  }
0x60: {  	v3 =	vadd.s32 v1, v3;
	_ =	sdelay $0x2  }
0x61: {  	[tilespmem:s22], [sflag:$0x1] =	stream.indirect_vreg.gather [hbm4b:s1+s3], $0x80, v4, vm0, $0xb8;
	[tilespmem:$0x8080] =	vst v63  }
0x62: {  	_ = 	snop  }
0x63: {  	[tilespmem:s23], [sflag:$0x1] =	stream.indirect_vreg.gather [hbm4b:s1+s3], $0x80, v3, vm0, $0xb8;
	[tilespmem:$0x8080] =	vst v63  }
0x64: {  	_ =	swait.ge [sflag:s24], $0x8000  }
0x65: {  	p0 =	sne.s32 s6, $0x1;
	[sflag:s24] =	ssyncset.done $0x0  }
.Ltmp0:
0x66: {  	[sflag:s24] =	ssyncadd.s32 $0xFFFF8000;
	(pc) =	sbr.rel @p0 .LBB2_1-.Ltmp0, $4  }
0x67: {  	[hbm4b:s5+s3] =	stream.linear.scatter [tilespmem:s8], [sflag:$0x2], $0x8000, $0x38;
	[tilespmem:$0x8080] =	vst v63  }
0x68: {  	_ =	swait.ge [sflag:s7], $0x8000  }
0x69: {  	[sflag:s7] =	ssyncset.done $0x0  }
0x6a: {  	s6 =	sadd.s32 $0xFFFFFFFF, s6;
	[sflag:s7] =	ssyncadd.s32 $0xFFFF8000  }
0x6b: {  	_ =	sfence.sel $0x180000  }
0x6c: {  	[bflag:$0x0] =	sbarrier.arrive $0xFFFF  }
0x6d: {  	p0 =	sne.s32 s2, $0x0;
	_ =	strace $0x90000047  }
0x6e: {  	s0 =	sadd.s32 @!p0 $0x100000, s0;
	[bflag:$0x2] =	sbarrier.arrive $0xFFFF  }
0x6f: {  	[sflag:s0] =	ssyncadd.tile.s32 @!p0 $0x1;
	_ =	shalt  }
.Lfunc_end2:
_tile_overlayer_lowered:
.L_overlay_start_2:
0x70: {  	(tag) =	ssettag $0x2  }
0x71: {  	s0 =	rddreg [dreg:$0x0];
	s2 =	stileid.u32  }
0x72: {  	s1 =	rddreg [dreg:$0x1];
	p0 =	sne.s32 s2, $0x0  }
0x73: {  	s3 =	rddreg [dreg:$0x2];
	[bflag:$0x3] =	sbarrier.arrive $0xFFFF;
	s2 =	simm.s32 @!p0 $0x1C02  }
0x74: {  	[timem:s3], [sflag:s2] =	dma.local @!p0 [hbm:s0], s1  }
0x75: {  	s0 =	simm.s32 @!p0 $0x2  }
0x76: {  	_ =	swait.ge @!p0 [sflag:s0], s1  }
0x77: {  	s1 =	ssub.s32 @!p0 $0x0, s1;
	[sflag:s0] =	ssyncset.done @!p0 $0x0  }
0x78: {  	[sflag:s0] =	ssyncadd.s32 @!p0 s1  }
0x79: {  	[bflag:$0x3] =	sbarrier.arrive $0xFFFF  }
0x7a: {  	_ =	shalt  }

</sc_bundles>
